<compile_context>
chip_gen: v7x
topology: tpu7x:2x2x1
jax: 0.10.2.dev20260603
libtpu: 0.0.44.dev20260713+nightly
codegen_flags: <defaults>
</compile_context>

<pallas_src>
import jax
import jax.numpy as jnp
from jax.experimental import pallas as pl
from jax.experimental.pallas import tpu as pltpu


def _quat(x):
    z = jnp.zeros(x.shape[:-1] + (1,), x.dtype)
    return jnp.concatenate([z, x], axis=-1)[..., None, :]


def _fps(xyz, npoint):
    B, N, _ = xyz.shape
    def body(i, state):
        centroids, distance, farthest = state
        centroids = centroids.at[:, i].set(farthest)
        centroid = jnp.take_along_axis(xyz, farthest[:, None, None], axis=1)
        dist = jnp.sum((xyz - centroid) ** 2, -1)
        distance = jnp.minimum(distance, dist)
        farthest = jnp.argmax(distance, -1).astype(jnp.int32)
        return (centroids, distance, farthest)
    init = (jnp.zeros((B, npoint), jnp.int32),
            jnp.full((B, N), 1e10, xyz.dtype),
            jnp.zeros((B,), jnp.int32))
    centroids, _, _ = jax.lax.fori_loop(0, npoint, body, init)
    return centroids


def _query_ball(radius, nsample, xyz, new_xyz):
    B, S, _ = new_xyz.shape
    N = xyz.shape[1]
    sqr = jnp.sum((new_xyz[:, :, None, :] - xyz[:, None, :, :]) ** 2, -1)
    gidx = jnp.broadcast_to(jnp.arange(N, dtype=jnp.int32), (B, S, N))
    gidx = jnp.where(sqr > radius ** 2, N, gidx)
    gidx = jnp.sort(gidx, axis=-1)[:, :, :nsample]
    first = gidx[:, :, :1]
    gidx = jnp.where(gidx == N, jnp.broadcast_to(first, gidx.shape), gidx)
    return gidx


def _gather_pts(x, idx):
    B, N = x.shape[0], x.shape[1]
    flat = idx.reshape(B, -1)
    out = jnp.take_along_axis(x.reshape(B, N, -1), flat[:, :, None], axis=1)
    return out.reshape(B, idx.shape[1], idx.shape[2], *x.shape[2:])


def _q_sublayer(x, w, g, t, pool_k=None):
    M, C = x.shape[1], x.shape[2]
    O = w.shape[1]
    Tm = 2048 if M >= 2048 else M
    nt = M // Tm
    g2 = g.reshape(1, O)
    t2 = t.reshape(1, O)

    def kern_sum(x_ref, w_ref, o_ref):
        @pl.when(pl.program_id(0) == 0)
        def _zero():
            o_ref[...] = jnp.zeros_like(o_ref)
        s = jnp.zeros((1, O), jnp.float32)
        for i in range(4):
            y = jnp.dot(x_ref[i], w_ref[...],
                        preferred_element_type=jnp.float32,
                        precision=jax.lax.Precision.HIGHEST)
            s = s + jnp.sum(y * y, axis=0, keepdims=True)
        o_ref[...] = o_ref[...] + s

    sumsq = pl.pallas_call(
        kern_sum,
        grid=(nt,),
        in_specs=[
            pl.BlockSpec((4, Tm, C), lambda tt: (0, tt, 0)),
            pl.BlockSpec((C, O), lambda tt: (0, 0)),
        ],
        out_specs=pl.BlockSpec((1, O), lambda tt: (0, 0)),
        out_shape=jax.ShapeDtypeStruct((1, O), jnp.float32),
    )(x, w)

    def kern_apply(x_ref, w_ref, ss_ref, g_ref, t_ref, o_ref):
        mean = ss_ref[...] / M
        sc1 = g_ref[...] / jnp.sqrt(mean + 1e-5)
        ys = []
        for i in range(4):
            y = jnp.dot(x_ref[i], w_ref[...],
                        preferred_element_type=jnp.float32,
                        precision=jax.lax.Precision.HIGHEST)
            ys.append(y * sc1)
        n2 = ys[0] * ys[0] + ys[1] * ys[1] + ys[2] * ys[2] + ys[3] * ys[3]
        nrm = jnp.sqrt(n2 + 1e-8)
        s2 = jnp.minimum(1.0, nrm / t_ref[...])
        for i in range(4):
            o_ref[i] = ys[i] * s2

    out_shape = jax.ShapeDtypeStruct((4, M, O), jnp.float32)
    out_spec = pl.BlockSpec((4, Tm, O), lambda tt: (0, tt, 0))

    return pl.pallas_call(
        kern_apply,
        grid=(nt,),
        in_specs=[
            pl.BlockSpec((4, Tm, C), lambda tt: (0, tt, 0)),
            pl.BlockSpec((C, O), lambda tt: (0, 0)),
            pl.BlockSpec((1, O), lambda tt: (0, 0)),
            pl.BlockSpec((1, O), lambda tt: (0, 0)),
            pl.BlockSpec((1, O), lambda tt: (0, 0)),
        ],
        out_specs=out_spec,
        out_shape=out_shape,
    )(x, w, sumsq, g2, t2)


def _pool_call(x, K):
    G = x.shape[1] // K
    O = x.shape[2]
    x4 = x.reshape(4, G, K, O)
    per_group = 16 * K * O
    Tg = max(1, min(G, (8 << 20) // per_group))
    while G % Tg:
        Tg -= 1

    def kern(x_ref, o_ref):
        xs = [x_ref[i] for i in range(4)]
        n2 = xs[0] * xs[0] + xs[1] * xs[1] + xs[2] * xs[2] + xs[3] * xs[3]
        mx = jnp.max(n2, axis=1, keepdims=True)
        kidx = jax.lax.broadcasted_iota(jnp.int32, (Tg, K, O), 1)
        big = jnp.where(n2 >= mx, kidx, K)
        kmin = jnp.min(big, axis=1, keepdims=True)
        sel = (kidx == kmin).astype(jnp.float32)
        for i in range(4):
            o_ref[i] = jnp.sum(xs[i] * sel, axis=1)

    return pl.pallas_call(
        kern,
        grid=(G // Tg,),
        in_specs=[pl.BlockSpec((4, Tg, K, O), lambda tt: (0, tt, 0, 0))],
        out_specs=pl.BlockSpec((4, Tg, O), lambda tt: (0, tt, 0)),
        out_shape=jax.ShapeDtypeStruct((4, G, O), jnp.float32),
    )(x4)


def _q_mlp_pool(feat, ws, gs, ts, pool_k):
    B, S, K = feat.shape[0], feat.shape[1], feat.shape[2]
    for W, g, t in zip(ws, gs, ts):
        feat = jnp.einsum('oc,...ci->...oi', W, feat)
        n2 = jnp.sum(feat ** 2, -1)
        red = tuple(range(n2.ndim - 1))
        mean = jnp.mean(n2, axis=red)
        feat = feat / jnp.sqrt(mean + 1e-5)[:, None] * g[:, None]
        norm = jnp.sqrt(jnp.sum(feat ** 2, -1) + 1e-8)
        scale = jnp.minimum(1.0, norm / t)
        feat = feat * scale[..., None]
    O = feat.shape[3]
    x = jnp.transpose(feat, (4, 0, 1, 2, 3)).reshape(4, B * S * K, O)
    x = _pool_call(x, pool_k)
    return jnp.transpose(x.reshape(4, B, S, O), (1, 2, 3, 0))


def _head_kernel(pooled, p):
    B = pooled.shape[1]

    def kern(x_ref, w1, b1, g1, bb1, w2, b2, g2, bb2, w3, b3, o_ref):
        h = jnp.sqrt(x_ref[0] ** 2 + x_ref[1] ** 2 + x_ref[2] ** 2
                     + x_ref[3] ** 2 + 1e-8)
        for w, b, gg, bb in ((w1, b1, g1, bb1), (w2, b2, g2, bb2)):
            v = jnp.dot(h, w[...],
                        preferred_element_type=jnp.float32) + b[...]
            m = jnp.mean(v, axis=0, keepdims=True)
            var = jnp.mean((v - m) ** 2, axis=0, keepdims=True)
            v = (v - m) / jnp.sqrt(var + 1e-5) * gg[...] + bb[...]
            h = jnp.where(v >= 0, v, 0.2 * v)
        o_ref[...] = jnp.dot(h, w3[...],
                             preferred_element_type=jnp.float32) + b3[...]

    args = [
        pooled,
        p['fc1_w'].T, p['fc1_b'].reshape(1, -1),
        p['bn1_g'].reshape(1, -1), p['bn1_b'].reshape(1, -1),
        p['fc2_w'].T, p['fc2_b'].reshape(1, -1),
        p['bn2_g'].reshape(1, -1), p['bn2_b'].reshape(1, -1),
        p['fc3_w'].T, p['fc3_b'].reshape(1, -1),
    ]
    return pl.pallas_call(
        kern,
        out_shape=jax.ShapeDtypeStruct((B, 40), jnp.float32),
    )(*args)


def kernel(xyz, params):
    B = xyz.shape[0]
    x = jnp.transpose(xyz, (0, 2, 1))

    fps1 = _fps(jax.lax.stop_gradient(x), 512)
    new1 = jnp.take_along_axis(x, fps1[:, :, None], axis=1)
    gidx1 = _query_ball(0.2, 32, x, new1)
    grouped1 = _gather_pts(x, gidx1)
    feat1 = jnp.concatenate(
        [_quat(grouped1 - new1[:, :, None, :]), _quat(grouped1)], axis=3)
    l1_p = _q_mlp_pool(feat1, params['sa1_w'], params['sa1_g'],
                       params['sa1_t'], 32)

    fps2 = _fps(jax.lax.stop_gradient(new1), 128)
    new2 = jnp.take_along_axis(new1, fps2[:, :, None], axis=1)
    gidx2 = _query_ball(0.4, 64, new1, new2)
    grouped2 = _gather_pts(new1, gidx2)
    feat2 = jnp.concatenate(
        [_quat(grouped2 - new2[:, :, None, :]), _quat(grouped2),
         _gather_pts(l1_p, gidx2)], axis=3)
    l2_p = _q_mlp_pool(feat2, params['sa2_w'], params['sa2_g'],
                       params['sa2_t'], 64)

    feat3 = jnp.concatenate(
        [_quat(new2[:, None, :, :]), l2_p[:, None]], axis=3)
    l3_p = _q_mlp_pool(feat3, params['sa3_w'], params['sa3_g'],
                       params['sa3_t'], 128)

    pooled = jnp.transpose(l3_p[:, 0], (2, 0, 1))
    return _head_kernel(pooled, params)

# --- scband reference (transcript-rebuilt; emitter-appended) ---
"""Pipeline reference for scband-point-net2-reqnn-2619930051203 (READ-ONLY COPY).

The authoritative reference and input builder live on the scoring server;
editing this copy changes nothing except your own understanding.
"""

import jax, jax.numpy as jnp
import numpy as np


def _to_quat(x):
    z = jnp.zeros(x.shape[:-1] + (1,), x.dtype)
    return jnp.concatenate([z, x], axis=-1)[..., None, :]


def _fps(xyz, npoint):
    B, N, _ = xyz.shape
    def body(i, state):
        centroids, distance, farthest = state
        centroids = centroids.at[:, i].set(farthest)
        centroid = jnp.take_along_axis(xyz, farthest[:, None, None], axis=1)
        dist = jnp.sum((xyz - centroid) ** 2, -1)
        distance = jnp.minimum(distance, dist)
        farthest = jnp.argmax(distance, -1).astype(jnp.int32)
        return (centroids, distance, farthest)
    init = (jnp.zeros((B, npoint), jnp.int32), jnp.full((B, N), 1e10, xyz.dtype), jnp.zeros((B,), jnp.int32))
    centroids, _, _ = jax.lax.fori_loop(0, npoint, body, init)
    return centroids


def _query_ball(radius, nsample, xyz, new_xyz):
    B, S, _ = new_xyz.shape
    N = xyz.shape[1]
    sqr = jnp.sum((new_xyz[:, :, None, :] - xyz[:, None, :, :]) ** 2, -1)
    gidx = jnp.broadcast_to(jnp.arange(N, dtype=jnp.int32), (B, S, N))
    gidx = jnp.where(sqr > radius ** 2, N, gidx)
    gidx = jnp.sort(gidx, axis=-1)[:, :, :nsample]
    first = gidx[:, :, :1]
    gidx = jnp.where(gidx == N, jnp.broadcast_to(first, gidx.shape), gidx)
    return gidx


def _gather(x, idx):
    B, N = x.shape[0], x.shape[1]
    rest = x.shape[2:]
    flat = idx.reshape(B, -1)
    out = jnp.take_along_axis(x.reshape(B, N, -1), flat[:, :, None], axis=1)
    return out.reshape(B, idx.shape[1], idx.shape[2], *rest)


def _q_mlp(feat, ws, gs, ts):
    for W, g, t in zip(ws, gs, ts):
        feat = jnp.einsum('oc,...ci->...oi', W, feat)
        n2 = jnp.sum(feat ** 2, -1)
        red = tuple(range(n2.ndim - 1))
        mean = jnp.mean(n2, axis=red)
        feat = feat / jnp.sqrt(mean + 1e-5)[:, None] * g[:, None]
        norm = jnp.sqrt(jnp.sum(feat ** 2, -1) + 1e-8)
        scale = jnp.minimum(1.0, norm / t)
        feat = feat * scale[..., None]
    return feat


def _sa(xyz, points, npoint, radius, nsample, ws, gs, ts, group_all):
    B, N, _ = xyz.shape
    if group_all:
        new_xyz = jnp.zeros((B, 1, 3), xyz.dtype)
        chans = [_to_quat(xyz[:, None, :, :])]
        if points is not None:
            chans.append(points[:, None])
    else:
        fps_idx = _fps(jax.lax.stop_gradient(xyz), npoint)
        new_xyz = jnp.take_along_axis(xyz, fps_idx[:, :, None], axis=1)
        gidx = _query_ball(radius, nsample, jax.lax.stop_gradient(xyz), jax.lax.stop_gradient(new_xyz))
        grouped = _gather(xyz, gidx)
        chans = [_to_quat(grouped - new_xyz[:, :, None, :]), _to_quat(grouped)]
        if points is not None:
            chans.append(_gather(points, gidx))
    feat = jnp.concatenate(chans, axis=3)
    feat = _q_mlp(feat, ws, gs, ts)
    norms = jnp.sqrt(jnp.sum(feat ** 2, -1) + 1e-8)
    idx = jnp.argmax(norms, axis=2)
    pooled = jnp.take_along_axis(feat, idx[:, :, None, :, None], axis=2)[:, :, 0]
    return new_xyz, pooled


def _bn(v, g, b):
    m = jnp.mean(v, 0)
    var = jnp.var(v, 0)
    return (v - m) / jnp.sqrt(var + 1e-5) * g + b


def _forward(xyz, params):
    B = xyz.shape[0]
    x = jnp.transpose(xyz, (0, 2, 1))
    l1_xyz, l1_p = _sa(x, None, 512, 0.2, 32, params['sa1_w'], params['sa1_g'], params['sa1_t'], False)
    l2_xyz, l2_p = _sa(l1_xyz, l1_p, 128, 0.4, 64, params['sa2_w'], params['sa2_g'], params['sa2_t'], False)
    _, l3_p = _sa(l2_xyz, l2_p, None, None, 128, params['sa3_w'], params['sa3_g'], params['sa3_t'], True)
    h = jnp.sqrt(jnp.sum(l3_p ** 2, -1) + 1e-8).reshape(B, 1024)
    h = jax.nn.leaky_relu(_bn(h @ params['fc1_w'].T + params['fc1_b'], params['bn1_g'], params['bn1_b']), 0.2)
    h = jax.nn.leaky_relu(_bn(h @ params['fc2_w'].T + params['fc2_b'], params['bn2_g'], params['bn2_b']), 0.2)
    return h @ params['fc3_w'].T + params['fc3_b']


def setup_inputs(seed: int = 0):
    key = jax.random.key(seed)
    B, N = 4, 1024
    kit = iter(jax.random.split(key, 32))
    xyz = jax.random.normal(next(kit), (B, 3, N), jnp.float32) * 0.4
    def mkw(k, o, i):
        return jax.random.normal(k, (o, i), jnp.float32) * np.sqrt(2.0 / i)
    def mklayer(mlp, cin):
        ws, gs, ts = [], [], []
        c = cin
        for o in mlp:
            ws.append(mkw(next(kit), o, c))
            gs.append(jnp.ones((o,), jnp.float32))
            ts.append(0.5 * jnp.ones((o,), jnp.float32))
            c = o
        return ws, gs, ts
    s1 = mklayer([64, 64, 128], 2)
    s2 = mklayer([128, 128, 256], 130)
    s3 = mklayer([256, 512, 1024], 257)
    params = {
        'sa1_w': s1[0], 'sa1_g': s1[1], 'sa1_t': s1[2],
        'sa2_w': s2[0], 'sa2_g': s2[1], 'sa2_t': s2[2],
        'sa3_w': s3[0], 'sa3_g': s3[1], 'sa3_t': s3[2],
        'fc1_w': mkw(next(kit), 512, 1024), 'fc1_b': jnp.zeros((512,), jnp.float32),
        'bn1_g': jnp.ones((512,), jnp.float32), 'bn1_b': jnp.zeros((512,), jnp.float32),
        'fc2_w': mkw(next(kit), 256, 512), 'fc2_b': jnp.zeros((256,), jnp.float32),
        'bn2_g': jnp.ones((256,), jnp.float32), 'bn2_b': jnp.zeros((256,), jnp.float32),
        'fc3_w': mkw(next(kit), 40, 256), 'fc3_b': jnp.zeros((40,), jnp.float32),
    }
    return {'xyz': xyz, 'params': params}


def reference(xyz, params):
    return _forward(xyz, params)

if __name__ == "__main__":
    import jax
    _d = setup_inputs()
    print(jax.jit(kernel)(*tuple(_d.values())))

</pallas_src>

<mosaic_0001>
module attributes {stable_mosaic.version = 14 : i64} {
  func.func @kern(%arg0: i32, %arg1: memref<4x128x32x128xf32, #tpu.memory_space<vmem>>, %arg2: memref<4x128x128xf32, #tpu.memory_space<vmem>>) attributes {dimension_semantics = [#tpu.dimension_semantics<arbitrary>], iteration_bounds = array<i64: 16>, scalar_prefetch = 0 : i64, scratch_operands = 0 : i64, tpu.core_type = #tpu.core_type<tc>, window_params = [{transform_indices = @transform_0, window_bounds = array<i64: 4, 128, 32, 128>}, {transform_indices = @transform_1, window_bounds = array<i64: 4, 128, 128>}]} {
    %get3A = arith.constant 0 : index
    %get3A_0 = arith.constant 0 : index
    %get3A_1 = arith.constant 0 : index
    %get3A_2 = arith.constant 0 : index
    %get3A_3 = vector.load %arg1[%get3A, %get3A_0, %get3A_1, %get3A_2] : memref<4x128x32x128xf32, #tpu.memory_space<vmem>>, vector<1x128x32x128xf32>
    %get3A_4 = vector.shape_cast %get3A_3 : vector<1x128x32x128xf32> to vector<128x32x128xf32>
    %get3A_5 = arith.constant 1 : index
    %get3A_6 = arith.constant 0 : index
    %get3A_7 = arith.constant 0 : index
    %get3A_8 = arith.constant 0 : index
    %get3A_9 = vector.load %arg1[%get3A_5, %get3A_6, %get3A_7, %get3A_8] : memref<4x128x32x128xf32, #tpu.memory_space<vmem>>, vector<1x128x32x128xf32>
    %get3A_10 = vector.shape_cast %get3A_9 : vector<1x128x32x128xf32> to vector<128x32x128xf32>
    %get3A_11 = arith.constant 2 : index
    %get3A_12 = arith.constant 0 : index
    %get3A_13 = arith.constant 0 : index
    %get3A_14 = arith.constant 0 : index
    %get3A_15 = vector.load %arg1[%get3A_11, %get3A_12, %get3A_13, %get3A_14] : memref<4x128x32x128xf32, #tpu.memory_space<vmem>>, vector<1x128x32x128xf32>
    %get3A_16 = vector.shape_cast %get3A_15 : vector<1x128x32x128xf32> to vector<128x32x128xf32>
    %get3A_17 = arith.constant 3 : index
    %get3A_18 = arith.constant 0 : index
    %get3A_19 = arith.constant 0 : index
    %get3A_20 = arith.constant 0 : index
    %get3A_21 = vector.load %arg1[%get3A_17, %get3A_18, %get3A_19, %get3A_20] : memref<4x128x32x128xf32, #tpu.memory_space<vmem>>, vector<1x128x32x128xf32>
    %get3A_22 = vector.shape_cast %get3A_21 : vector<1x128x32x128xf32> to vector<128x32x128xf32>
    %mul3A = arith.mulf %get3A_4, %get3A_4 : vector<128x32x128xf32>
    %mul3A_23 = arith.mulf %get3A_10, %get3A_10 : vector<128x32x128xf32>
    %add3A = arith.addf %mul3A, %mul3A_23 : vector<128x32x128xf32>
    %mul3A_24 = arith.mulf %get3A_16, %get3A_16 : vector<128x32x128xf32>
    %add3A_25 = arith.addf %add3A, %mul3A_24 : vector<128x32x128xf32>
    %mul3A_26 = arith.mulf %get3A_22, %get3A_22 : vector<128x32x128xf32>
    %add3A_27 = arith.addf %add3A_25, %mul3A_26 : vector<128x32x128xf32>
    %reduce_max3A = arith.constant dense<0xFF800000> : vector<128x128xf32>
    %reduce_max3A_28 = vector.multi_reduction <maximumf>, %add3A_27, %reduce_max3A [1] : vector<128x32x128xf32> to vector<128x128xf32>
    %broadcast_in_dim3A = vector.shape_cast %reduce_max3A_28 : vector<128x128xf32> to vector<128x1x128xf32>
    %iota3A = tpu.iota {dimensions = array<i32: 1>} : vector<128x32x128xi32>
    %ge3A = vector.broadcast %broadcast_in_dim3A : vector<128x1x128xf32> to vector<128x32x128xf32>
    %ge3A_29 = arith.cmpf oge, %add3A_27, %ge3A : vector<128x32x128xf32>
    %jit3A = arith.constant 32 : i32
    %broadcast_in_dim3A_30 = vector.broadcast %jit3A : i32 to vector<128x32x128xi32>
    %select_n3A = arith.select %ge3A_29, %iota3A, %broadcast_in_dim3A_30 : vector<128x32x128xi1>, vector<128x32x128xi32>
    %reduce_min3A = arith.constant dense<2147483647> : vector<128x128xi32>
    %reduce_min3A_31 = vector.multi_reduction <minsi>, %select_n3A, %reduce_min3A [1] : vector<128x32x128xi32> to vector<128x128xi32>
    %broadcast_in_dim3A_32 = vector.shape_cast %reduce_min3A_31 : vector<128x128xi32> to vector<128x1x128xi32>
    %eq3A = vector.broadcast %broadcast_in_dim3A_32 : vector<128x1x128xi32> to vector<128x32x128xi32>
    %eq3A_33 = arith.cmpi eq, %iota3A, %eq3A : vector<128x32x128xi32>
    %convert_element_type3A = arith.extui %eq3A_33 : vector<128x32x128xi1> to vector<128x32x128xi32>
    %convert_element_type3A_34 = arith.sitofp %convert_element_type3A : vector<128x32x128xi32> to vector<128x32x128xf32>
    %mul3A_35 = arith.mulf %get3A_4, %convert_element_type3A_34 : vector<128x32x128xf32>
    %reduce_sum3A = arith.constant dense<0.000000e+00> : vector<128x128xf32>
    %reduce_sum3A_36 = vector.multi_reduction <add>, %mul3A_35, %reduce_sum3A [1] : vector<128x32x128xf32> to vector<128x128xf32>
    %swap3A = arith.constant 0 : index
    %swap3A_37 = arith.constant 0 : index
    %swap3A_38 = arith.constant 0 : index
    %swap3A_39 = vector.load %arg2[%swap3A, %swap3A_37, %swap3A_38] : memref<4x128x128xf32, #tpu.memory_space<vmem>>, vector<1x128x128xf32>
    %swap3A_40 = vector.shape_cast %swap3A_39 : vector<1x128x128xf32> to vector<128x128xf32>
    %swap3A_41 = vector.shape_cast %reduce_sum3A_36 : vector<128x128xf32> to vector<1x128x128xf32>
    tpu.vector_store %arg2[%swap3A, %swap3A_37, %swap3A_38], %swap3A_41 {strides = array<i32>} : memref<4x128x128xf32, #tpu.memory_space<vmem>>, vector<1x128x128xf32>,
    %mul3A_42 = arith.mulf %get3A_10, %convert_element_type3A_34 : vector<128x32x128xf32>
    %reduce_sum3A_43 = arith.constant dense<0.000000e+00> : vector<128x128xf32>
    %reduce_sum3A_44 = vector.multi_reduction <add>, %mul3A_42, %reduce_sum3A_43 [1] : vector<128x32x128xf32> to vector<128x128xf32>
    %swap3A_45 = arith.constant 1 : index
    %swap3A_46 = arith.constant 0 : index
    %swap3A_47 = arith.constant 0 : index
    %swap3A_48 = vector.load %arg2[%swap3A_45, %swap3A_46, %swap3A_47] : memref<4x128x128xf32, #tpu.memory_space<vmem>>, vector<1x128x128xf32>
    %swap3A_49 = vector.shape_cast %swap3A_48 : vector<1x128x128xf32> to vector<128x128xf32>
    %swap3A_50 = vector.shape_cast %reduce_sum3A_44 : vector<128x128xf32> to vector<1x128x128xf32>
    tpu.vector_store %arg2[%swap3A_45, %swap3A_46, %swap3A_47], %swap3A_50 {strides = array<i32>} : memref<4x128x128xf32, #tpu.memory_space<vmem>>, vector<1x128x128xf32>,
    %mul3A_51 = arith.mulf %get3A_16, %convert_element_type3A_34 : vector<128x32x128xf32>
    %reduce_sum3A_52 = arith.constant dense<0.000000e+00> : vector<128x128xf32>
    %reduce_sum3A_53 = vector.multi_reduction <add>, %mul3A_51, %reduce_sum3A_52 [1] : vector<128x32x128xf32> to vector<128x128xf32>
    %swap3A_54 = arith.constant 2 : index
    %swap3A_55 = arith.constant 0 : index
    %swap3A_56 = arith.constant 0 : index
    %swap3A_57 = vector.load %arg2[%swap3A_54, %swap3A_55, %swap3A_56] : memref<4x128x128xf32, #tpu.memory_space<vmem>>, vector<1x128x128xf32>
    %swap3A_58 = vector.shape_cast %swap3A_57 : vector<1x128x128xf32> to vector<128x128xf32>
    %swap3A_59 = vector.shape_cast %reduce_sum3A_53 : vector<128x128xf32> to vector<1x128x128xf32>
    tpu.vector_store %arg2[%swap3A_54, %swap3A_55, %swap3A_56], %swap3A_59 {strides = array<i32>} : memref<4x128x128xf32, #tpu.memory_space<vmem>>, vector<1x128x128xf32>,
    %mul3A_60 = arith.mulf %get3A_22, %convert_element_type3A_34 : vector<128x32x128xf32>
    %reduce_sum3A_61 = arith.constant dense<0.000000e+00> : vector<128x128xf32>
    %reduce_sum3A_62 = vector.multi_reduction <add>, %mul3A_60, %reduce_sum3A_61 [1] : vector<128x32x128xf32> to vector<128x128xf32>
    %swap3A_63 = arith.constant 3 : index
    %swap3A_64 = arith.constant 0 : index
    %swap3A_65 = arith.constant 0 : index
    %swap3A_66 = vector.load %arg2[%swap3A_63, %swap3A_64, %swap3A_65] : memref<4x128x128xf32, #tpu.memory_space<vmem>>, vector<1x128x128xf32>
    %swap3A_67 = vector.shape_cast %swap3A_66 : vector<1x128x128xf32> to vector<128x128xf32>
    %swap3A_68 = vector.shape_cast %reduce_sum3A_62 : vector<128x128xf32> to vector<1x128x128xf32>
    tpu.vector_store %arg2[%swap3A_63, %swap3A_64, %swap3A_65], %swap3A_68 {strides = array<i32>} : memref<4x128x128xf32, #tpu.memory_space<vmem>>, vector<1x128x128xf32>,
    return
  }
  func.func @transform_0(%arg0: i32) -> (i32, i32, i32, i32) {
    %c0_i32 = arith.constant 0 : i32
    %c0_i32_0 = arith.constant 0 : i32
    %c0_i32_1 = arith.constant 0 : i32
    %c0_i32_2 = arith.constant 0 : i32
    return %c0_i32, %arg0, %c0_i32_0, %c0_i32_1 : i32, i32, i32, i32
  }
  func.func @transform_1(%arg0: i32) -> (i32, i32, i32) {
    %c0_i32 = arith.constant 0 : i32
    %c0_i32_0 = arith.constant 0 : i32
    %c0_i32_1 = arith.constant 0 : i32
    return %c0_i32, %arg0, %c0_i32_0 : i32, i32, i32
  }
}

module attributes {stable_mosaic.version = 14 : i64} {
  func.func @kern(%arg0: i32, %arg1: memref<4x32x64x256xf32, #tpu.memory_space<vmem>>, %arg2: memref<4x32x256xf32, #tpu.memory_space<vmem>>) attributes {dimension_semantics = [#tpu.dimension_semantics<arbitrary>], iteration_bounds = array<i64: 16>, scalar_prefetch = 0 : i64, scratch_operands = 0 : i64, tpu.core_type = #tpu.core_type<tc>, window_params = [{transform_indices = @transform_0, window_bounds = array<i64: 4, 32, 64, 256>}, {transform_indices = @transform_1, window_bounds = array<i64: 4, 32, 256>}]} {
    %get3A = arith.constant 0 : index
    %get3A_0 = arith.constant 0 : index
    %get3A_1 = arith.constant 0 : index
    %get3A_2 = arith.constant 0 : index
    %get3A_3 = vector.load %arg1[%get3A, %get3A_0, %get3A_1, %get3A_2] : memref<4x32x64x256xf32, #tpu.memory_space<vmem>>, vector<1x32x64x256xf32>
    %get3A_4 = vector.shape_cast %get3A_3 : vector<1x32x64x256xf32> to vector<32x64x256xf32>
    %get3A_5 = arith.constant 1 : index
    %get3A_6 = arith.constant 0 : index
    %get3A_7 = arith.constant 0 : index
    %get3A_8 = arith.constant 0 : index
    %get3A_9 = vector.load %arg1[%get3A_5, %get3A_6, %get3A_7, %get3A_8] : memref<4x32x64x256xf32, #tpu.memory_space<vmem>>, vector<1x32x64x256xf32>
    %get3A_10 = vector.shape_cast %get3A_9 : vector<1x32x64x256xf32> to vector<32x64x256xf32>
    %get3A_11 = arith.constant 2 : index
    %get3A_12 = arith.constant 0 : index
    %get3A_13 = arith.constant 0 : index
    %get3A_14 = arith.constant 0 : index
    %get3A_15 = vector.load %arg1[%get3A_11, %get3A_12, %get3A_13, %get3A_14] : memref<4x32x64x256xf32, #tpu.memory_space<vmem>>, vector<1x32x64x256xf32>
    %get3A_16 = vector.shape_cast %get3A_15 : vector<1x32x64x256xf32> to vector<32x64x256xf32>
    %get3A_17 = arith.constant 3 : index
    %get3A_18 = arith.constant 0 : index
    %get3A_19 = arith.constant 0 : index
    %get3A_20 = arith.constant 0 : index
    %get3A_21 = vector.load %arg1[%get3A_17, %get3A_18, %get3A_19, %get3A_20] : memref<4x32x64x256xf32, #tpu.memory_space<vmem>>, vector<1x32x64x256xf32>
    %get3A_22 = vector.shape_cast %get3A_21 : vector<1x32x64x256xf32> to vector<32x64x256xf32>
    %mul3A = arith.mulf %get3A_4, %get3A_4 : vector<32x64x256xf32>
    %mul3A_23 = arith.mulf %get3A_10, %get3A_10 : vector<32x64x256xf32>
    %add3A = arith.addf %mul3A, %mul3A_23 : vector<32x64x256xf32>
    %mul3A_24 = arith.mulf %get3A_16, %get3A_16 : vector<32x64x256xf32>
    %add3A_25 = arith.addf %add3A, %mul3A_24 : vector<32x64x256xf32>
    %mul3A_26 = arith.mulf %get3A_22, %get3A_22 : vector<32x64x256xf32>
    %add3A_27 = arith.addf %add3A_25, %mul3A_26 : vector<32x64x256xf32>
    %reduce_max3A = arith.constant dense<0xFF800000> : vector<32x256xf32>
    %reduce_max3A_28 = vector.multi_reduction <maximumf>, %add3A_27, %reduce_max3A [1] : vector<32x64x256xf32> to vector<32x256xf32>
    %broadcast_in_dim3A = vector.shape_cast %reduce_max3A_28 : vector<32x256xf32> to vector<32x1x256xf32>
    %iota3A = tpu.iota {dimensions = array<i32: 1>} : vector<32x64x256xi32>
    %ge3A = vector.broadcast %broadcast_in_dim3A : vector<32x1x256xf32> to vector<32x64x256xf32>
    %ge3A_29 = arith.cmpf oge, %add3A_27, %ge3A : vector<32x64x256xf32>
    %jit3A = arith.constant 64 : i32
    %broadcast_in_dim3A_30 = vector.broadcast %jit3A : i32 to vector<32x64x256xi32>
    %select_n3A = arith.select %ge3A_29, %iota3A, %broadcast_in_dim3A_30 : vector<32x64x256xi1>, vector<32x64x256xi32>
    %reduce_min3A = arith.constant dense<2147483647> : vector<32x256xi32>
    %reduce_min3A_31 = vector.multi_reduction <minsi>, %select_n3A, %reduce_min3A [1] : vector<32x64x256xi32> to vector<32x256xi32>
    %broadcast_in_dim3A_32 = vector.shape_cast %reduce_min3A_31 : vector<32x256xi32> to vector<32x1x256xi32>
    %eq3A = vector.broadcast %broadcast_in_dim3A_32 : vector<32x1x256xi32> to vector<32x64x256xi32>
    %eq3A_33 = arith.cmpi eq, %iota3A, %eq3A : vector<32x64x256xi32>
    %convert_element_type3A = arith.extui %eq3A_33 : vector<32x64x256xi1> to vector<32x64x256xi32>
    %convert_element_type3A_34 = arith.sitofp %convert_element_type3A : vector<32x64x256xi32> to vector<32x64x256xf32>
    %mul3A_35 = arith.mulf %get3A_4, %convert_element_type3A_34 : vector<32x64x256xf32>
    %reduce_sum3A = arith.constant dense<0.000000e+00> : vector<32x256xf32>
    %reduce_sum3A_36 = vector.multi_reduction <add>, %mul3A_35, %reduce_sum3A [1] : vector<32x64x256xf32> to vector<32x256xf32>
    %swap3A = arith.constant 0 : index
    %swap3A_37 = arith.constant 0 : index
    %swap3A_38 = arith.constant 0 : index
    %swap3A_39 = vector.load %arg2[%swap3A, %swap3A_37, %swap3A_38] : memref<4x32x256xf32, #tpu.memory_space<vmem>>, vector<1x32x256xf32>
    %swap3A_40 = vector.shape_cast %swap3A_39 : vector<1x32x256xf32> to vector<32x256xf32>
    %swap3A_41 = vector.shape_cast %reduce_sum3A_36 : vector<32x256xf32> to vector<1x32x256xf32>
    tpu.vector_store %arg2[%swap3A, %swap3A_37, %swap3A_38], %swap3A_41 {strides = array<i32>} : memref<4x32x256xf32, #tpu.memory_space<vmem>>, vector<1x32x256xf32>,
    %mul3A_42 = arith.mulf %get3A_10, %convert_element_type3A_34 : vector<32x64x256xf32>
    %reduce_sum3A_43 = arith.constant dense<0.000000e+00> : vector<32x256xf32>
    %reduce_sum3A_44 = vector.multi_reduction <add>, %mul3A_42, %reduce_sum3A_43 [1] : vector<32x64x256xf32> to vector<32x256xf32>
    %swap3A_45 = arith.constant 1 : index
    %swap3A_46 = arith.constant 0 : index
    %swap3A_47 = arith.constant 0 : index
    %swap3A_48 = vector.load %arg2[%swap3A_45, %swap3A_46, %swap3A_47] : memref<4x32x256xf32, #tpu.memory_space<vmem>>, vector<1x32x256xf32>
    %swap3A_49 = vector.shape_cast %swap3A_48 : vector<1x32x256xf32> to vector<32x256xf32>
    %swap3A_50 = vector.shape_cast %reduce_sum3A_44 : vector<32x256xf32> to vector<1x32x256xf32>
    tpu.vector_store %arg2[%swap3A_45, %swap3A_46, %swap3A_47], %swap3A_50 {strides = array<i32>} : memref<4x32x256xf32, #tpu.memory_space<vmem>>, vector<1x32x256xf32>,
    %mul3A_51 = arith.mulf %get3A_16, %convert_element_type3A_34 : vector<32x64x256xf32>
    %reduce_sum3A_52 = arith.constant dense<0.000000e+00> : vector<32x256xf32>
    %reduce_sum3A_53 = vector.multi_reduction <add>, %mul3A_51, %reduce_sum3A_52 [1] : vector<32x64x256xf32> to vector<32x256xf32>
    %swap3A_54 = arith.constant 2 : index
    %swap3A_55 = arith.constant 0 : index
    %swap3A_56 = arith.constant 0 : index
    %swap3A_57 = vector.load %arg2[%swap3A_54, %swap3A_55, %swap3A_56] : memref<4x32x256xf32, #tpu.memory_space<vmem>>, vector<1x32x256xf32>
    %swap3A_58 = vector.shape_cast %swap3A_57 : vector<1x32x256xf32> to vector<32x256xf32>
    %swap3A_59 = vector.shape_cast %reduce_sum3A_53 : vector<32x256xf32> to vector<1x32x256xf32>
    tpu.vector_store %arg2[%swap3A_54, %swap3A_55, %swap3A_56], %swap3A_59 {strides = array<i32>} : memref<4x32x256xf32, #tpu.memory_space<vmem>>, vector<1x32x256xf32>,
    %mul3A_60 = arith.mulf %get3A_22, %convert_element_type3A_34 : vector<32x64x256xf32>
    %reduce_sum3A_61 = arith.constant dense<0.000000e+00> : vector<32x256xf32>
    %reduce_sum3A_62 = vector.multi_reduction <add>, %mul3A_60, %reduce_sum3A_61 [1] : vector<32x64x256xf32> to vector<32x256xf32>
    %swap3A_63 = arith.constant 3 : index
    %swap3A_64 = arith.constant 0 : index
    %swap3A_65 = arith.constant 0 : index
    %swap3A_66 = vector.load %arg2[%swap3A_63, %swap3A_64, %swap3A_65] : memref<4x32x256xf32, #tpu.memory_space<vmem>>, vector<1x32x256xf32>
    %swap3A_67 = vector.shape_cast %swap3A_66 : vector<1x32x256xf32> to vector<32x256xf32>
    %swap3A_68 = vector.shape_cast %reduce_sum3A_62 : vector<32x256xf32> to vector<1x32x256xf32>
    tpu.vector_store %arg2[%swap3A_63, %swap3A_64, %swap3A_65], %swap3A_68 {strides = array<i32>} : memref<4x32x256xf32, #tpu.memory_space<vmem>>, vector<1x32x256xf32>,
    return
  }
  func.func @transform_0(%arg0: i32) -> (i32, i32, i32, i32) {
    %c0_i32 = arith.constant 0 : i32
    %c0_i32_0 = arith.constant 0 : i32
    %c0_i32_1 = arith.constant 0 : i32
    %c0_i32_2 = arith.constant 0 : i32
    return %c0_i32, %arg0, %c0_i32_0, %c0_i32_1 : i32, i32, i32, i32
  }
  func.func @transform_1(%arg0: i32) -> (i32, i32, i32) {
    %c0_i32 = arith.constant 0 : i32
    %c0_i32_0 = arith.constant 0 : i32
    %c0_i32_1 = arith.constant 0 : i32
    return %c0_i32, %arg0, %c0_i32_0 : i32, i32, i32
  }
}

module attributes {stable_mosaic.version = 14 : i64} {
  func.func @kern(%arg0: i32, %arg1: memref<4x4x128x1024xf32, #tpu.memory_space<vmem>>, %arg2: memref<4x4x1024xf32, #tpu.memory_space<vmem>>) attributes {dimension_semantics = [#tpu.dimension_semantics<arbitrary>], iteration_bounds = array<i64: 1>, scalar_prefetch = 0 : i64, scratch_operands = 0 : i64, tpu.core_type = #tpu.core_type<tc>, window_params = [{transform_indices = @transform_0, window_bounds = array<i64: 4, 4, 128, 1024>}, {transform_indices = @transform_1, window_bounds = array<i64: 4, 4, 1024>}]} {
    %get3A = arith.constant 0 : index
    %get3A_0 = arith.constant 0 : index
    %get3A_1 = arith.constant 0 : index
    %get3A_2 = arith.constant 0 : index
    %get3A_3 = vector.load %arg1[%get3A, %get3A_0, %get3A_1, %get3A_2] : memref<4x4x128x1024xf32, #tpu.memory_space<vmem>>, vector<1x4x128x1024xf32>
    %get3A_4 = vector.shape_cast %get3A_3 : vector<1x4x128x1024xf32> to vector<4x128x1024xf32>
    %get3A_5 = arith.constant 1 : index
    %get3A_6 = arith.constant 0 : index
    %get3A_7 = arith.constant 0 : index
    %get3A_8 = arith.constant 0 : index
    %get3A_9 = vector.load %arg1[%get3A_5, %get3A_6, %get3A_7, %get3A_8] : memref<4x4x128x1024xf32, #tpu.memory_space<vmem>>, vector<1x4x128x1024xf32>
    %get3A_10 = vector.shape_cast %get3A_9 : vector<1x4x128x1024xf32> to vector<4x128x1024xf32>
    %get3A_11 = arith.constant 2 : index
    %get3A_12 = arith.constant 0 : index
    %get3A_13 = arith.constant 0 : index
    %get3A_14 = arith.constant 0 : index
    %get3A_15 = vector.load %arg1[%get3A_11, %get3A_12, %get3A_13, %get3A_14] : memref<4x4x128x1024xf32, #tpu.memory_space<vmem>>, vector<1x4x128x1024xf32>
    %get3A_16 = vector.shape_cast %get3A_15 : vector<1x4x128x1024xf32> to vector<4x128x1024xf32>
    %get3A_17 = arith.constant 3 : index
    %get3A_18 = arith.constant 0 : index
    %get3A_19 = arith.constant 0 : index
    %get3A_20 = arith.constant 0 : index
    %get3A_21 = vector.load %arg1[%get3A_17, %get3A_18, %get3A_19, %get3A_20] : memref<4x4x128x1024xf32, #tpu.memory_space<vmem>>, vector<1x4x128x1024xf32>
    %get3A_22 = vector.shape_cast %get3A_21 : vector<1x4x128x1024xf32> to vector<4x128x1024xf32>
    %mul3A = arith.mulf %get3A_4, %get3A_4 : vector<4x128x1024xf32>
    %mul3A_23 = arith.mulf %get3A_10, %get3A_10 : vector<4x128x1024xf32>
    %add3A = arith.addf %mul3A, %mul3A_23 : vector<4x128x1024xf32>
    %mul3A_24 = arith.mulf %get3A_16, %get3A_16 : vector<4x128x1024xf32>
    %add3A_25 = arith.addf %add3A, %mul3A_24 : vector<4x128x1024xf32>
    %mul3A_26 = arith.mulf %get3A_22, %get3A_22 : vector<4x128x1024xf32>
    %add3A_27 = arith.addf %add3A_25, %mul3A_26 : vector<4x128x1024xf32>
    %reduce_max3A = arith.constant dense<0xFF800000> : vector<4x1024xf32>
    %reduce_max3A_28 = vector.multi_reduction <maximumf>, %add3A_27, %reduce_max3A [1] : vector<4x128x1024xf32> to vector<4x1024xf32>
    %broadcast_in_dim3A = vector.shape_cast %reduce_max3A_28 : vector<4x1024xf32> to vector<4x1x1024xf32>
    %iota3A = tpu.iota {dimensions = array<i32: 1>} : vector<4x128x1024xi32>
    %ge3A = vector.broadcast %broadcast_in_dim3A : vector<4x1x1024xf32> to vector<4x128x1024xf32>
    %ge3A_29 = arith.cmpf oge, %add3A_27, %ge3A : vector<4x128x1024xf32>
    %jit3A = arith.constant 128 : i32
    %broadcast_in_dim3A_30 = vector.broadcast %jit3A : i32 to vector<4x128x1024xi32>
    %select_n3A = arith.select %ge3A_29, %iota3A, %broadcast_in_dim3A_30 : vector<4x128x1024xi1>, vector<4x128x1024xi32>
    %reduce_min3A = arith.constant dense<2147483647> : vector<4x1024xi32>
    %reduce_min3A_31 = vector.multi_reduction <minsi>, %select_n3A, %reduce_min3A [1] : vector<4x128x1024xi32> to vector<4x1024xi32>
    %broadcast_in_dim3A_32 = vector.shape_cast %reduce_min3A_31 : vector<4x1024xi32> to vector<4x1x1024xi32>
    %eq3A = vector.broadcast %broadcast_in_dim3A_32 : vector<4x1x1024xi32> to vector<4x128x1024xi32>
    %eq3A_33 = arith.cmpi eq, %iota3A, %eq3A : vector<4x128x1024xi32>
    %convert_element_type3A = arith.extui %eq3A_33 : vector<4x128x1024xi1> to vector<4x128x1024xi32>
    %convert_element_type3A_34 = arith.sitofp %convert_element_type3A : vector<4x128x1024xi32> to vector<4x128x1024xf32>
    %mul3A_35 = arith.mulf %get3A_4, %convert_element_type3A_34 : vector<4x128x1024xf32>
    %reduce_sum3A = arith.constant dense<0.000000e+00> : vector<4x1024xf32>
    %reduce_sum3A_36 = vector.multi_reduction <add>, %mul3A_35, %reduce_sum3A [1] : vector<4x128x1024xf32> to vector<4x1024xf32>
    %swap3A = arith.constant 0 : index
    %swap3A_37 = arith.constant 0 : index
    %swap3A_38 = arith.constant 0 : index
    %swap3A_39 = vector.load %arg2[%swap3A, %swap3A_37, %swap3A_38] : memref<4x4x1024xf32, #tpu.memory_space<vmem>>, vector<1x4x1024xf32>
    %swap3A_40 = vector.shape_cast %swap3A_39 : vector<1x4x1024xf32> to vector<4x1024xf32>
    %swap3A_41 = vector.shape_cast %reduce_sum3A_36 : vector<4x1024xf32> to vector<1x4x1024xf32>
    tpu.vector_store %arg2[%swap3A, %swap3A_37, %swap3A_38], %swap3A_41 {strides = array<i32>} : memref<4x4x1024xf32, #tpu.memory_space<vmem>>, vector<1x4x1024xf32>,
    %mul3A_42 = arith.mulf %get3A_10, %convert_element_type3A_34 : vector<4x128x1024xf32>
    %reduce_sum3A_43 = arith.constant dense<0.000000e+00> : vector<4x1024xf32>
    %reduce_sum3A_44 = vector.multi_reduction <add>, %mul3A_42, %reduce_sum3A_43 [1] : vector<4x128x1024xf32> to vector<4x1024xf32>
    %swap3A_45 = arith.constant 1 : index
    %swap3A_46 = arith.constant 0 : index
    %swap3A_47 = arith.constant 0 : index
    %swap3A_48 = vector.load %arg2[%swap3A_45, %swap3A_46, %swap3A_47] : memref<4x4x1024xf32, #tpu.memory_space<vmem>>, vector<1x4x1024xf32>
    %swap3A_49 = vector.shape_cast %swap3A_48 : vector<1x4x1024xf32> to vector<4x1024xf32>
    %swap3A_50 = vector.shape_cast %reduce_sum3A_44 : vector<4x1024xf32> to vector<1x4x1024xf32>
    tpu.vector_store %arg2[%swap3A_45, %swap3A_46, %swap3A_47], %swap3A_50 {strides = array<i32>} : memref<4x4x1024xf32, #tpu.memory_space<vmem>>, vector<1x4x1024xf32>,
    %mul3A_51 = arith.mulf %get3A_16, %convert_element_type3A_34 : vector<4x128x1024xf32>
    %reduce_sum3A_52 = arith.constant dense<0.000000e+00> : vector<4x1024xf32>
    %reduce_sum3A_53 = vector.multi_reduction <add>, %mul3A_51, %reduce_sum3A_52 [1] : vector<4x128x1024xf32> to vector<4x1024xf32>
    %swap3A_54 = arith.constant 2 : index
    %swap3A_55 = arith.constant 0 : index
    %swap3A_56 = arith.constant 0 : index
    %swap3A_57 = vector.load %arg2[%swap3A_54, %swap3A_55, %swap3A_56] : memref<4x4x1024xf32, #tpu.memory_space<vmem>>, vector<1x4x1024xf32>
    %swap3A_58 = vector.shape_cast %swap3A_57 : vector<1x4x1024xf32> to vector<4x1024xf32>
    %swap3A_59 = vector.shape_cast %reduce_sum3A_53 : vector<4x1024xf32> to vector<1x4x1024xf32>
    tpu.vector_store %arg2[%swap3A_54, %swap3A_55, %swap3A_56], %swap3A_59 {strides = array<i32>} : memref<4x4x1024xf32, #tpu.memory_space<vmem>>, vector<1x4x1024xf32>,
    %mul3A_60 = arith.mulf %get3A_22, %convert_element_type3A_34 : vector<4x128x1024xf32>
    %reduce_sum3A_61 = arith.constant dense<0.000000e+00> : vector<4x1024xf32>
    %reduce_sum3A_62 = vector.multi_reduction <add>, %mul3A_60, %reduce_sum3A_61 [1] : vector<4x128x1024xf32> to vector<4x1024xf32>
    %swap3A_63 = arith.constant 3 : index
    %swap3A_64 = arith.constant 0 : index
    %swap3A_65 = arith.constant 0 : index
    %swap3A_66 = vector.load %arg2[%swap3A_63, %swap3A_64, %swap3A_65] : memref<4x4x1024xf32, #tpu.memory_space<vmem>>, vector<1x4x1024xf32>
    %swap3A_67 = vector.shape_cast %swap3A_66 : vector<1x4x1024xf32> to vector<4x1024xf32>
    %swap3A_68 = vector.shape_cast %reduce_sum3A_62 : vector<4x1024xf32> to vector<1x4x1024xf32>
    tpu.vector_store %arg2[%swap3A_63, %swap3A_64, %swap3A_65], %swap3A_68 {strides = array<i32>} : memref<4x4x1024xf32, #tpu.memory_space<vmem>>, vector<1x4x1024xf32>,
    return
  }
  func.func @transform_0(%arg0: i32) -> (i32, i32, i32, i32) {
    %c0_i32 = arith.constant 0 : i32
    %c0_i32_0 = arith.constant 0 : i32
    %c0_i32_1 = arith.constant 0 : i32
    %c0_i32_2 = arith.constant 0 : i32
    return %c0_i32, %arg0, %c0_i32_0, %c0_i32_1 : i32, i32, i32, i32
  }
  func.func @transform_1(%arg0: i32) -> (i32, i32, i32) {
    %c0_i32 = arith.constant 0 : i32
    %c0_i32_0 = arith.constant 0 : i32
    %c0_i32_1 = arith.constant 0 : i32
    return %c0_i32, %arg0, %c0_i32_0 : i32, i32, i32
  }
}

module attributes {stable_mosaic.version = 14 : i64} {
  func.func @kern(%arg0: memref<4x4x1024xf32, #tpu.memory_space<vmem>>, %arg1: memref<1024x512xf32, #tpu.memory_space<vmem>>, %arg2: memref<1x512xf32, #tpu.memory_space<vmem>>, %arg3: memref<1x512xf32, #tpu.memory_space<vmem>>, %arg4: memref<1x512xf32, #tpu.memory_space<vmem>>, %arg5: memref<512x256xf32, #tpu.memory_space<vmem>>, %arg6: memref<1x256xf32, #tpu.memory_space<vmem>>, %arg7: memref<1x256xf32, #tpu.memory_space<vmem>>, %arg8: memref<1x256xf32, #tpu.memory_space<vmem>>, %arg9: memref<256x40xf32, #tpu.memory_space<vmem>>, %arg10: memref<1x40xf32, #tpu.memory_space<vmem>>, %arg11: memref<4x40xf32, #tpu.memory_space<vmem>>) attributes {dimension_semantics = [], scalar_prefetch = 0 : i64, scratch_operands = 0 : i64, tpu.core_type = #tpu.core_type<tc>} {
    %get3A = arith.constant 0 : index
    %get3A_0 = arith.constant 0 : index
    %get3A_1 = arith.constant 0 : index
    %get3A_2 = vector.load %arg0[%get3A, %get3A_0, %get3A_1] : memref<4x4x1024xf32, #tpu.memory_space<vmem>>, vector<1x4x1024xf32>
    %get3A_3 = vector.shape_cast %get3A_2 : vector<1x4x1024xf32> to vector<4x1024xf32>
    %integer_pow3A = arith.mulf %get3A_3, %get3A_3 : vector<4x1024xf32>
    %get3A_4 = arith.constant 1 : index
    %get3A_5 = arith.constant 0 : index
    %get3A_6 = arith.constant 0 : index
    %get3A_7 = vector.load %arg0[%get3A_4, %get3A_5, %get3A_6] : memref<4x4x1024xf32, #tpu.memory_space<vmem>>, vector<1x4x1024xf32>
    %get3A_8 = vector.shape_cast %get3A_7 : vector<1x4x1024xf32> to vector<4x1024xf32>
    %integer_pow3A_9 = arith.mulf %get3A_8, %get3A_8 : vector<4x1024xf32>
    %add3A = arith.addf %integer_pow3A, %integer_pow3A_9 : vector<4x1024xf32>
    %get3A_10 = arith.constant 2 : index
    %get3A_11 = arith.constant 0 : index
    %get3A_12 = arith.constant 0 : index
    %get3A_13 = vector.load %arg0[%get3A_10, %get3A_11, %get3A_12] : memref<4x4x1024xf32, #tpu.memory_space<vmem>>, vector<1x4x1024xf32>
    %get3A_14 = vector.shape_cast %get3A_13 : vector<1x4x1024xf32> to vector<4x1024xf32>
    %integer_pow3A_15 = arith.mulf %get3A_14, %get3A_14 : vector<4x1024xf32>
    %add3A_16 = arith.addf %add3A, %integer_pow3A_15 : vector<4x1024xf32>
    %get3A_17 = arith.constant 3 : index
    %get3A_18 = arith.constant 0 : index
    %get3A_19 = arith.constant 0 : index
    %get3A_20 = vector.load %arg0[%get3A_17, %get3A_18, %get3A_19] : memref<4x4x1024xf32, #tpu.memory_space<vmem>>, vector<1x4x1024xf32>
    %get3A_21 = vector.shape_cast %get3A_20 : vector<1x4x1024xf32> to vector<4x1024xf32>
    %integer_pow3A_22 = arith.mulf %get3A_21, %get3A_21 : vector<4x1024xf32>
    %add3A_23 = arith.addf %add3A_16, %integer_pow3A_22 : vector<4x1024xf32>
    %add3A_24 = arith.constant 9.99999993E-9 : f32
    %add3A_25 = vector.broadcast %add3A_24 : f32 to vector<4x1024xf32>
    %add3A_26 = arith.addf %add3A_23, %add3A_25 : vector<4x1024xf32>
    %sqrt3A = math.sqrt %add3A_26 : vector<4x1024xf32>
    %get3A_27 = arith.constant 0 : index
    %get3A_28 = arith.constant 0 : index
    %get3A_29 = vector.load %arg1[%get3A_27, %get3A_28] : memref<1024x512xf32, #tpu.memory_space<vmem>>, vector<1024x512xf32>
    %dot_general3A = arith.constant dense<0.000000e+00> : vector<4x512xf32>
    %dot_general3A_30 = tpu.matmul %sqrt3A, %get3A_29, %dot_general3A {dimension_numbers = #tpu.dot_dimension_numbers<[1], [0], [0], [1], [0, 0, 1, 1], [], []>, transpose_lhs_hint = false} : vector<4x1024xf32>, vector<1024x512xf32>, vector<4x512xf32> -> vector<4x512xf32>
    %get3A_31 = arith.constant 0 : index
    %get3A_32 = arith.constant 0 : index
    %get3A_33 = vector.load %arg2[%get3A_31, %get3A_32] : memref<1x512xf32, #tpu.memory_space<vmem>>, vector<1x512xf32>
    %add3A_34 = vector.broadcast %get3A_33 : vector<1x512xf32> to vector<4x512xf32>
    %add3A_35 = arith.addf %dot_general3A_30, %add3A_34 : vector<4x512xf32>
    %reduce_sum3A = arith.constant dense<0.000000e+00> : vector<512xf32>
    %reduce_sum3A_36 = vector.multi_reduction <add>, %add3A_35, %reduce_sum3A [0] : vector<4x512xf32> to vector<512xf32>
    %broadcast_in_dim3A = vector.shape_cast %reduce_sum3A_36 : vector<512xf32> to vector<1x512xf32>
    %div3A = arith.constant 4.000000e+00 : f32
    %div3A_37 = vector.broadcast %div3A : f32 to vector<1x512xf32>
    %div3A_38 = arith.divf %broadcast_in_dim3A, %div3A_37 : vector<1x512xf32>
    %sub3A = vector.broadcast %div3A_38 : vector<1x512xf32> to vector<4x512xf32>
    %sub3A_39 = arith.subf %add3A_35, %sub3A : vector<4x512xf32>
    %integer_pow3A_40 = arith.mulf %sub3A_39, %sub3A_39 : vector<4x512xf32>
    %reduce_sum3A_41 = arith.constant dense<0.000000e+00> : vector<512xf32>
    %reduce_sum3A_42 = vector.multi_reduction <add>, %integer_pow3A_40, %reduce_sum3A_41 [0] : vector<4x512xf32> to vector<512xf32>
    %broadcast_in_dim3A_43 = vector.shape_cast %reduce_sum3A_42 : vector<512xf32> to vector<1x512xf32>
    %div3A_44 = arith.constant 4.000000e+00 : f32
    %div3A_45 = vector.broadcast %div3A_44 : f32 to vector<1x512xf32>
    %div3A_46 = arith.divf %broadcast_in_dim3A_43, %div3A_45 : vector<1x512xf32>
    %sub3A_47 = vector.broadcast %div3A_38 : vector<1x512xf32> to vector<4x512xf32>
    %sub3A_48 = arith.subf %add3A_35, %sub3A_47 : vector<4x512xf32>
    %add3A_49 = arith.constant 9.99999974E-6 : f32
    %add3A_50 = vector.broadcast %add3A_49 : f32 to vector<1x512xf32>
    %add3A_51 = arith.addf %div3A_46, %add3A_50 : vector<1x512xf32>
    %sqrt3A_52 = math.sqrt %add3A_51 : vector<1x512xf32>
    %div3A_53 = vector.broadcast %sqrt3A_52 : vector<1x512xf32> to vector<4x512xf32>
    %div3A_54 = arith.divf %sub3A_48, %div3A_53 : vector<4x512xf32>
    %get3A_55 = arith.constant 0 : index
    %get3A_56 = arith.constant 0 : index
    %get3A_57 = vector.load %arg3[%get3A_55, %get3A_56] : memref<1x512xf32, #tpu.memory_space<vmem>>, vector<1x512xf32>
    %mul3A = vector.broadcast %get3A_57 : vector<1x512xf32> to vector<4x512xf32>
    %mul3A_58 = arith.mulf %div3A_54, %mul3A : vector<4x512xf32>
    %get3A_59 = arith.constant 0 : index
    %get3A_60 = arith.constant 0 : index
    %get3A_61 = vector.load %arg4[%get3A_59, %get3A_60] : memref<1x512xf32, #tpu.memory_space<vmem>>, vector<1x512xf32>
    %add3A_62 = vector.broadcast %get3A_61 : vector<1x512xf32> to vector<4x512xf32>
    %add3A_63 = arith.addf %mul3A_58, %add3A_62 : vector<4x512xf32>
    %ge3A = arith.constant 0.000000e+00 : f32
    %ge3A_64 = vector.broadcast %ge3A : f32 to vector<4x512xf32>
    %ge3A_65 = arith.cmpf oge, %add3A_63, %ge3A_64 : vector<4x512xf32>
    %mul3A_66 = arith.constant 2.000000e-01 : f32
    %mul3A_67 = vector.broadcast %mul3A_66 : f32 to vector<4x512xf32>
    %mul3A_68 = arith.mulf %mul3A_67, %add3A_63 : vector<4x512xf32>
    %select_n3A = arith.select %ge3A_65, %add3A_63, %mul3A_68 : vector<4x512xi1>, vector<4x512xf32>
    %get3A_69 = arith.constant 0 : index
    %get3A_70 = arith.constant 0 : index
    %get3A_71 = vector.load %arg5[%get3A_69, %get3A_70] : memref<512x256xf32, #tpu.memory_space<vmem>>, vector<512x256xf32>
    %dot_general3A_72 = arith.constant dense<0.000000e+00> : vector<4x256xf32>
    %dot_general3A_73 = tpu.matmul %select_n3A, %get3A_71, %dot_general3A_72 {dimension_numbers = #tpu.dot_dimension_numbers<[1], [0], [0], [1], [0, 0, 1, 1], [], []>, transpose_lhs_hint = false} : vector<4x512xf32>, vector<512x256xf32>, vector<4x256xf32> -> vector<4x256xf32>
    %get3A_74 = arith.constant 0 : index
    %get3A_75 = arith.constant 0 : index
    %get3A_76 = vector.load %arg6[%get3A_74, %get3A_75] : memref<1x256xf32, #tpu.memory_space<vmem>>, vector<1x256xf32>
    %add3A_77 = vector.broadcast %get3A_76 : vector<1x256xf32> to vector<4x256xf32>
    %add3A_78 = arith.addf %dot_general3A_73, %add3A_77 : vector<4x256xf32>
    %reduce_sum3A_79 = arith.constant dense<0.000000e+00> : vector<256xf32>
    %reduce_sum3A_80 = vector.multi_reduction <add>, %add3A_78, %reduce_sum3A_79 [0] : vector<4x256xf32> to vector<256xf32>
    %broadcast_in_dim3A_81 = vector.shape_cast %reduce_sum3A_80 : vector<256xf32> to vector<1x256xf32>
    %div3A_82 = arith.constant 4.000000e+00 : f32
    %div3A_83 = vector.broadcast %div3A_82 : f32 to vector<1x256xf32>
    %div3A_84 = arith.divf %broadcast_in_dim3A_81, %div3A_83 : vector<1x256xf32>
    %sub3A_85 = vector.broadcast %div3A_84 : vector<1x256xf32> to vector<4x256xf32>
    %sub3A_86 = arith.subf %add3A_78, %sub3A_85 : vector<4x256xf32>
    %integer_pow3A_87 = arith.mulf %sub3A_86, %sub3A_86 : vector<4x256xf32>
    %reduce_sum3A_88 = arith.constant dense<0.000000e+00> : vector<256xf32>
    %reduce_sum3A_89 = vector.multi_reduction <add>, %integer_pow3A_87, %reduce_sum3A_88 [0] : vector<4x256xf32> to vector<256xf32>
    %broadcast_in_dim3A_90 = vector.shape_cast %reduce_sum3A_89 : vector<256xf32> to vector<1x256xf32>
    %div3A_91 = arith.constant 4.000000e+00 : f32
    %div3A_92 = vector.broadcast %div3A_91 : f32 to vector<1x256xf32>
    %div3A_93 = arith.divf %broadcast_in_dim3A_90, %div3A_92 : vector<1x256xf32>
    %sub3A_94 = vector.broadcast %div3A_84 : vector<1x256xf32> to vector<4x256xf32>
    %sub3A_95 = arith.subf %add3A_78, %sub3A_94 : vector<4x256xf32>
    %add3A_96 = arith.constant 9.99999974E-6 : f32
    %add3A_97 = vector.broadcast %add3A_96 : f32 to vector<1x256xf32>
    %add3A_98 = arith.addf %div3A_93, %add3A_97 : vector<1x256xf32>
    %sqrt3A_99 = math.sqrt %add3A_98 : vector<1x256xf32>
    %div3A_100 = vector.broadcast %sqrt3A_99 : vector<1x256xf32> to vector<4x256xf32>
    %div3A_101 = arith.divf %sub3A_95, %div3A_100 : vector<4x256xf32>
    %get3A_102 = arith.constant 0 : index
    %get3A_103 = arith.constant 0 : index
    %get3A_104 = vector.load %arg7[%get3A_102, %get3A_103] : memref<1x256xf32, #tpu.memory_space<vmem>>, vector<1x256xf32>
    %mul3A_105 = vector.broadcast %get3A_104 : vector<1x256xf32> to vector<4x256xf32>
    %mul3A_106 = arith.mulf %div3A_101, %mul3A_105 : vector<4x256xf32>
    %get3A_107 = arith.constant 0 : index
    %get3A_108 = arith.constant 0 : index
    %get3A_109 = vector.load %arg8[%get3A_107, %get3A_108] : memref<1x256xf32, #tpu.memory_space<vmem>>, vector<1x256xf32>
    %add3A_110 = vector.broadcast %get3A_109 : vector<1x256xf32> to vector<4x256xf32>
    %add3A_111 = arith.addf %mul3A_106, %add3A_110 : vector<4x256xf32>
    %ge3A_112 = arith.constant 0.000000e+00 : f32
    %ge3A_113 = vector.broadcast %ge3A_112 : f32 to vector<4x256xf32>
    %ge3A_114 = arith.cmpf oge, %add3A_111, %ge3A_113 : vector<4x256xf32>
    %mul3A_115 = arith.constant 2.000000e-01 : f32
    %mul3A_116 = vector.broadcast %mul3A_115 : f32 to vector<4x256xf32>
    %mul3A_117 = arith.mulf %mul3A_116, %add3A_111 : vector<4x256xf32>
    %select_n3A_118 = arith.select %ge3A_114, %add3A_111, %mul3A_117 : vector<4x256xi1>, vector<4x256xf32>
    %get3A_119 = arith.constant 0 : index
    %get3A_120 = arith.constant 0 : index
    %get3A_121 = vector.load %arg9[%get3A_119, %get3A_120] : memref<256x40xf32, #tpu.memory_space<vmem>>, vector<256x40xf32>
    %dot_general3A_122 = arith.constant dense<0.000000e+00> : vector<4x40xf32>
    %dot_general3A_123 = tpu.matmul %select_n3A_118, %get3A_121, %dot_general3A_122 {dimension_numbers = #tpu.dot_dimension_numbers<[1], [0], [0], [1], [0, 0, 1, 1], [], []>, transpose_lhs_hint = false} : vector<4x256xf32>, vector<256x40xf32>, vector<4x40xf32> -> vector<4x40xf32>
    %get3A_124 = arith.constant 0 : index
    %get3A_125 = arith.constant 0 : index
    %get3A_126 = vector.load %arg10[%get3A_124, %get3A_125] : memref<1x40xf32, #tpu.memory_space<vmem>>, vector<1x40xf32>
    %add3A_127 = vector.broadcast %get3A_126 : vector<1x40xf32> to vector<4x40xf32>
    %add3A_128 = arith.addf %dot_general3A_123, %add3A_127 : vector<4x40xf32>
    %swap3A = arith.constant 0 : index
    %swap3A_129 = arith.constant 0 : index
    %swap3A_130 = vector.load %arg11[%swap3A, %swap3A_129] : memref<4x40xf32, #tpu.memory_space<vmem>>, vector<4x40xf32>
    tpu.vector_store %arg11[%swap3A, %swap3A_129], %add3A_128 {strides = array<i32>} : memref<4x40xf32, #tpu.memory_space<vmem>>, vector<4x40xf32>,
    return
  }
}

</mosaic_0001>

<sc_bundles>
// kernel: gather_offload_async_start
scs
__scs_entry_jumppad:
0x0: {  	(pc) =	sbr.rel $0x88, $3  }
0x1: {  	(tag) =	ssettag $0x0;
	lr =	simm.s32 $0x1  }
0x2: {  	[smem:$0x3F7B] =	sst lr;
	_ =	strace $0xD0000000  }
0x3: {  	_ = 	snop  }
0x4: {  	_ = 	snop  }
0x5: {  	_ = 	snop  }
0x6: {  	_ = 	snop  }
0x7: {  	_ = 	snop  }
__scs_overlays_trampoline_lowered:
0x8: {  	[smem:$0x3F8A] =	sst s0  }
0x9: {  	[smem:$0x3F8B] =	sst s1  }
0xa: {  	[smem:$0x3F8C] =	sst s2  }
0xb: {  	[smem:$0x3F8D] =	sst s3  }
0xc: {  	[smem:$0x3F8E] =	sst s4  }
0xd: {  	[smem:$0x3F8F] =	sst s5  }
0xe: {  	[smem:$0x3F90] =	sst s6  }
0xf: {  	[smem:$0x3F91] =	sst s7  }
0x10: {  	[smem:$0x3F92] =	sst s8  }
0x11: {  	[smem:$0x3F93] =	sst s9;
	s0 =	simm.s32 @!p0 $0x0  }
0x12: {  	s1 =	sld [smem:$0x3F79];
	s0 =	simm.s32 @p0 $0x1  }
0x13: {  	[smem:$0x3F94] =	sst s0;
	s0 =	simm.s32 @!p1 $0x0  }
0x14: {  	s2 =	sld [smem:$0x3F78];
	s0 =	simm.s32 @p1 $0x1  }
0x15: {  	[smem:$0x3F95] =	sst s0;
	s0 =	simm.s32 @!p2 $0x0  }
0x16: {  	s3 =	sld [smem:$0x3FDB];
	s0 =	simm.s32 @p2 $0x1  }
0x17: {  	s4 =	simm.s32 $0x1BF5;
	[smem:$0x3F97] =	sst s0  }
0x18: {  	s0 =	sld [smem:$0x3F7A];
	_ =	swait.ge [sflag:s4], $0x0  }
0x19: {  	s7 =	sld [smem:$0x3F7B]  }
0x1a: {  	s8 =	sadd.s32 $0xFFFFE003, lr  }
0x1b: {  	s9 =	sadd.s32 $0xFFFFFEF7, lr;
	s5 =	simm.s32 $0xFFFFFFFF;
	p2 =	slt.u32 s8, $0xFFFFF086  }
0x1c: {  	p1 =	slt.u32 s9, $0xF7A;
	s5 =	simm.s32 @!p2 $0x0  }
0x1d: {  	s5 =	simm.s32 @p1 $0x1;
	p0 =	seq.s32 s7, s2  }
0x1e: {  	s7 =	smul.u32 @!p0 $0xF7A, s2;
	p2 =	seq.s32 @!p0 s5, $0x0  }
0x1f: {  	s9 =	smul.u32 $0xF7A, s1;
	s8 =	simm.s32 @!p0 $0x1BF5;
	p2 =	por !p2, p0  }
0x20: {  	[sflag:s8] =	ssyncset.s32 @!p0 $0xFFFFF086;
	s6 =	sadd.s32 @!p0 s3, s7;
	s7 =	simm.s32 @!p0 $0x108  }
0x21: {  	s3 =	sadd.s32 s3, s9;
	s6 =	sadd.s32 @!p0 $0x88, s6;
	s7 =	simm.s32 @p2 $0x1082  }
0x22: {  	[simem:s7], [sflag:s8] =	dma.local @!p0 [hbm:s6], $0xF7A  }
0x23: {  	s9 =	sor.u32 $0xD0000000, s2;
	s6 =	simm.s32 $0x108;
	_ =	swait.ge @!p0 [sflag:s8], $0x0  }
0x24: {  	s3 =	sadd.s32 $0x88, s3;
	s6 =	simm.s32 @!p1 $0x1082;
	[sflag:s4] =	ssyncset.s32 $0xFFFFF086  }
0x25: {  	[simem:s6], [sflag:s4] =	dma.local [hbm:s3], $0xF7A  }
0x26: {  	[smem:$0x3F7B] =	sst s1;
	(tag) =	ssettag s2;
	_ =	strace s9  }
0x27: {  	s1 =	sld [smem:$0x3F8B]  }
0x28: {  	s2 =	sld [smem:$0x3F8C]  }
0x29: {  	s4 =	sld [smem:$0x3F8E]  }
0x2a: {  	p0 =	seq.s32 s5, $0x0;
	s5 =	sld [smem:$0x3F8F]  }
0x2b: {  	s6 =	sld [smem:$0x3F90]  }
0x2c: {  	s7 =	sld [smem:$0x3F91]  }
0x2d: {  	s3 =	simm.s32 $0x108;
	s8 =	sld [smem:$0x3F92]  }
0x2e: {  	s3 =	simm.s32 @!p0 $0x1082;
	s9 =	sld [smem:$0x3F93]  }
0x2f: {  	lr =	sadd.s32 s0, s3;
	s0 =	sld [smem:$0x3F8A]  }
0x30: {  	s3 =	sld [smem:$0x3F8D]  }
0x31: {  	[smem:$0x3F96] =	sst s10  }
0x32: {  	s10 =	sld [smem:$0x3F94];
	_ =	sdelay $0x3  }
0x33: {  	p0 =	seq.s32 s10, $0x1;
	s10 =	sld [smem:$0x3F96];
	_ =	sdelay $0x3  }
0x34: {  	[smem:$0x3F96] =	sst s10  }
0x35: {  	s10 =	sld [smem:$0x3F95];
	_ =	sdelay $0x3  }
0x36: {  	p1 =	seq.s32 s10, $0x1;
	s10 =	sld [smem:$0x3F96];
	_ =	sdelay $0x3  }
0x37: {  	[smem:$0x3F96] =	sst s10  }
0x38: {  	s10 =	sld [smem:$0x3F97]  }
0x39: {  	_ = 	snop;
	(pc) =	sbr.ind lr, $3  }
0x3a: {  	_ = 	snop  }
0x3b: {  	_ = 	snop  }
0x3c: {  	p2 =	seq.s32 s10, $0x1;
	s10 =	sld [smem:$0x3F96]  }
0x3d: {  	_ =	shalt  }
0x3e: {  	_ =	shalt  }
0x3f: {  	_ =	shalt  }
0x40: {  	_ =	shalt  }
0x41: {  	_ =	shalt  }
0x42: {  	_ =	shalt  }
0x43: {  	_ =	shalt  }
0x44: {  	_ =	shalt  }
0x45: {  	_ =	shalt  }
0x46: {  	_ =	shalt  }
0x47: {  	_ =	shalt  }
0x48: {  	_ =	shalt  }
0x49: {  	_ =	shalt  }
0x4a: {  	_ =	shalt  }
0x4b: {  	_ =	shalt  }
0x4c: {  	_ =	shalt  }
0x4d: {  	_ =	shalt  }
0x4e: {  	_ =	shalt  }
0x4f: {  	_ =	shalt  }
0x50: {  	_ =	shalt  }
0x51: {  	_ =	shalt  }
0x52: {  	_ =	shalt  }
0x53: {  	_ =	shalt  }
0x54: {  	_ =	shalt  }
0x55: {  	_ =	shalt  }
0x56: {  	_ =	shalt  }
0x57: {  	_ =	shalt  }
0x58: {  	_ =	shalt  }
0x59: {  	_ =	shalt  }
0x5a: {  	_ =	shalt  }
0x5b: {  	_ =	shalt  }
0x5c: {  	_ =	shalt  }
0x5d: {  	_ =	shalt  }
0x5e: {  	_ =	shalt  }
0x5f: {  	_ =	shalt  }
0x60: {  	_ =	shalt  }
0x61: {  	_ =	shalt  }
0x62: {  	_ =	shalt  }
0x63: {  	_ =	shalt  }
0x64: {  	_ =	shalt  }
0x65: {  	_ =	shalt  }
0x66: {  	_ =	shalt  }
0x67: {  	_ =	shalt  }
0x68: {  	_ =	shalt  }
0x69: {  	_ =	shalt  }
0x6a: {  	_ =	shalt  }
0x6b: {  	_ =	shalt  }
0x6c: {  	_ =	shalt  }
0x6d: {  	_ =	shalt  }
0x6e: {  	_ =	shalt  }
0x6f: {  	_ =	shalt  }
0x70: {  	_ =	shalt  }
0x71: {  	_ =	shalt  }
0x72: {  	_ =	shalt  }
0x73: {  	_ =	shalt  }
0x74: {  	_ =	shalt  }
0x75: {  	_ =	shalt  }
0x76: {  	_ =	shalt  }
0x77: {  	_ =	shalt  }
0x78: {  	_ =	shalt  }
0x79: {  	_ =	shalt  }
0x7a: {  	_ =	shalt  }
0x7b: {  	_ =	shalt  }
0x7c: {  	_ =	shalt  }
0x7d: {  	_ =	shalt  }
0x7e: {  	_ =	shalt  }
0x7f: {  	_ =	shalt  }
0x80: {  	_ =	shalt  }
0x81: {  	_ =	shalt  }
0x82: {  	_ =	shalt  }
0x83: {  	_ =	shalt  }
0x84: {  	_ =	shalt  }
0x85: {  	_ =	shalt  }
0x86: {  	_ =	shalt  }
0x87: {  	_ =	shalt  }
.Lfunc_end0:
.L_simem_size_0:
called_computation.4_lowered:
.L_overlay_start_0:
0x88: {  	s2 =	sld [smem:$0x3FD9]  }
0x89: {  	s3 =	sld [smem:$0x3FFE];
	_ =	sdelay $0x1  }
0x8a: {  	s1 =	srdreg.scid  }
0x8b: {  	s0 =	sand.u32 $0x1, s1  }
0x8c: {  	s16 =	sshll.u32 s0, $0xA;
	s2 =	sadd.s32 s3, s2  }
0x8d: {  	s2 =	sadd.s32 s2, s16  }
0x8e: {  	[smem:$0x3FA2] =	sst s2  }
0x8f: {  	_ = 	snop  }
0x90: {  	(tm) =	ssettm $0x1  }
0x91: {  	s17 =	sld [smem:$0x3FFB];
	_ =	sdelay $0x3  }
0x92: {  	_ =	strace s17  }
0x93: {  	s2 =	sld [smem:$0x3FFC];
	_ =	sdelay $0x3  }
0x94: {  	_ =	strace s2  }
0x95: {  	s2 =	sld [smem:$0x3FFD];
	_ =	sdelay $0x3  }
0x96: {  	_ =	strace s2  }
0x97: {  	_ =	strace $0x8FFFFFFF  }
0x98: {  	s18 =	sld [smem:$0x3FDB];
	_ =	sdelay $0x1  }
0x99: {  	s19 =	simm.s32 $_scs_section_size  }
0x9a: {  	s4 =	simm.s32 $_size__tile_overlayer_lowered;
	s5 =	simm.s32 $_tile_overlayer_lowered  }
0x9b: {  	s22 =	simm.s32 $0x1BFF;
	s21 =	sshll.u32 s5, $0x1;
	s2 =	sadd.s32 s19, s18  }
0x9c: {  	s6 =	simm.s32 $0x0;
	s20 =	sshll.u32 s4, $0x1;
	s4 =	sadd.s32 s21, s2  }
0x9d: {  	[timem:s6], [sflag:s22] =	dma.local [hbm:s4], s20  }
0x9e: {  	_ =	swait.ge [sflag:s22], s20  }
0x9f: {  	s3 =	ssub.s32 $0x0, s20;
	[sflag:s22] =	ssyncset.done $0x0  }
0xa0: {  	[sflag:s22] =	ssyncadd.s32 s3;
	_ =	sdelay $0x1  }
0xa1: {  	s23 =	simm.s32 $0x1B8B  }
0xa2: {  	_ =	swait.ge [sflag:s23], $0x1  }
0xa3: {  	[sflag:s23] =	ssyncset.done $0x0  }
0xa4: {  	s25 =	simm.s32 $0x1B8E;
	s24 =	sld [smem:$0x3FFE];
	[sflag:s23] =	ssyncadd.s32 $0xFFFFFFFF  }
0xa5: {  	s26 =	simm.s32 $execute0_lowered;
	[smem:$0x3FD2] =	sst s25  }
0xa6: {  	s4 =	sshll.u32 s26, $0x1;
	_ =	strace $0x80000046;
	[dreg:$0x1] =	wrdreg $0xFFFFFFFF  }
0xa7: {  	s28 =	simm.s32 $_size_execute0_lowered;
	s2 =	sadd.s32 s2, s4;
	[dreg:$0x0] =	wrdreg $0x0  }
0xa8: {  	s4 =	sshll.u32 s28, $0x1;
	[dreg:$0x2] =	wrdreg s2  }
0xa9: {  	[dreg:$0x3] =	wrdreg s4  }
0xaa: {  	[dreg:$0x4] =	wrdreg $0xC0  }
0xab: {  	_ =	task [dreg:s6], $0x5FFFF  }
0xac: {  	[dreg:$0x1] =	wrdreg $0xFFFFFFFF  }
0xad: {  	[dreg:$0x0] =	wrdreg $0x60  }
0xae: {  	[dreg:$0x2] =	wrdreg s24  }
0xaf: {  	[dreg:$0x3] =	wrdreg $0x9  }
0xb0: {  	_ =	task.clear_ibuf [dreg:s6], $0x4FFFF;
	_ =	strace $0x90000046  }
0xb1: {  	s29 =	simm.s32 $0x9;
	_ =	strace $0x80000048  }
0xb2: {  	_ =	swait.ge [sflag:s29], $0x1  }
0xb3: {  	[sflag:s29] =	ssyncadd.s32 $0xFFFFFFFF  }
0xb4: {  	_ =	strace $0x90000048  }
0xb5: {  	_ =	sfence  }
0xb6: {  	s30 =	sld [smem:$0x0];
	_ =	sdelay $0x2  }
0xb7: {  	s31 =	sshll.u32 s1, $0xD;
	s1 =	sshrl.u32 s1, $0x2  }
0xb8: {  	s3 =	sand.u32 $0x4000, s31;
	s1 =	sadd.s32 s1, s30  }
0xb9: {  	s0 =	sor.u32 s3, s0;
	s1 =	sshll.u32 s1, $0x11  }
0xba: {  	s0 =	sor.u32 s1, s0  }
0xbb: {  	s0 =	sadd.s32 $0x8F2B, s0  }
0xbc: {  	[sflag:s0] =	ssyncadd.remote.s32 $0x1  }
0xbd: {  	_ =	sfence.sel $0xFFFF  }
0xbe: {  	[dreg:$0x0] =	wrdreg $0xFFFFFFFF;
	(pc) =	sbr.abs _section_cstart, $3  }
0xbf: {  	[dreg:$0x1] =	wrdreg $0xFFFFFFFF  }
0xc0: {  	_ =	task.clear_ibuf [dreg:s6], $0x2FFFF;
	_ =	strace $0x9FFFFFFF  }
0xc1: {  	(tm) =	ssettm $0x7FFFFFFF  }
tec
execute0_lowered:
.L_overlay_start_1:
0x0: {  	(tag) =	ssettag $0x1  }
0x1: {  	s2 =	rddreg [dreg:$0x0]  }
0x2: {  	s0 =	rddreg [dreg:$0x1]  }
0x3: {  	s1 =	srdreg.scid;
	_ =	strace $0x80000047;
	s4 =	simm.s32 $0x1  }
0x4: {  	s9 =	simm.s32 $0x3;
	s12 =	simm.s32 $0x0;
	s5 =	sshll.u32 s1, $0x4  }
.Ltmp0:
0x5: {  	s1 =	stileid.u32;
	s5 =	sand.u32 $0x10, s5;
	(pc) =	sbr.rel .LBB2_1-.Ltmp0, $4  }
0x6: {  	s10 =	simm.s32 $0x0;
	s3 =	sadd.s32 $0x10000, s2;
	s6 =	sor.u32 s1, s5  }
0x7: {  	[sflag:s4] =	ssyncpa.u1 $0x0;
	s5 =	simm.s32 $0x2;
	s6 =	sshll.u32 s6, $0x6  }
0x8: {  	s7 =	sadd.s32 $0x10200, s2;
	[sflag:s5] =	ssyncpa.u1 $0x0;
	s8 =	sadd.s32 $0x40, s6  }
0x9: {  	vm0 =	vmmov $0xff;
	vm1 =	vcmask $0x3F20;
	[sflag:s9] =	ssyncpa.u1 $0x0;
	s9 =	simm.s32 $0x40;
	s11 =	smov.u32 s6  }
.LBB2_9:
0xa: {  	p0 =	seq.s32 s10, $0x2  }
.Ltmp1:
0xb: {  	_ = 	snop;
	(pc) =	sbr.rel @p0 .LBB2_11-.Ltmp1, $1  }
0xc: {  	_ =	sdelay $0x3  }
.LBB2_10:
0xd: {  	s12 =	sadd.s32 $0x40, s11  }
0xe: {  	s13 =	smov.u32 s6;
	p0 =	slt.s32 s12, s8  }
0xf: {  	s13 =	smov.u32 @p0 s12  }
0x10: {  	s10 =	sadd.s32 $0x1, s10;
	s12 =	smov.u32 s11;
	s11 =	smov.u32 s13  }
.LBB2_1:
0x11: {  	p0 =	sne.s32 s10, $0x0  }
.Ltmp2:
0x12: {  	_ = 	snop;
	(pc) =	sbr.rel @!p0 .LBB2_2-.Ltmp2, $1  }
0x13: {  	_ =	sdelay $0x3  }
0x14: {  	s13 =	sand.u32 $0x1, s10  }
0x15: {  	p0 =	seq.s32 s13, $0x0  }
.Ltmp3:
0x16: {  	_ = 	snop;
	(pc) =	sbr.rel @p0 .LBB2_9-.Ltmp3, $1  }
0x17: {  	_ =	sdelay $0x3  }
0x18: {  	_ =	swait.ge [sflag:s5], $0x40  }
0x19: {  	[sflag:s5] =	ssyncset.done $0x0  }
0x1a: {  	s13 =	simm.s32 $0x0;
	[sflag:s5] =	ssyncadd.s32 $0xFFFFFFC0  }
0x1b: {  	v0 =	vld.msk [tilespmem:s13+$0x40 ss:$0x1], $0xffff;
	_ =	sdelay $0x4  }
0x1c: {  	v1 =	vshll.u32 v0, $0x5  }
0x1d: {  	vm2 =	veq.s32 v0, $0x80000000;
	v0 =	vshll.u32 v0, $0x11;
	v1 =	vand.u32 $0x1FF80, v1  }
0x1e: {  	v0 =	vand.u32 $0x60000, v0;
	v1 =	vsel vm2, $0xFFFFFF80, v1  }
0x1f: {  	v0 =	vsel vm2, $0xFFFE0000, v0;
	v2 =	vand.u32 $0xFFFFFC00, v1  }
0x20: {  	v1 =	vand.u32 $0x380, v1;
	v0 =	vadd.s32 v0, v2  }
0x21: {  	v0 =	vor.u32 v1, v0  }
0x22: {  	v0 =	vshrl.u32 v0, $0x3;
	_ =	sdelay $0x3  }
0x23: {  	s13 =	simm.s32 $0x2080  }
0x24: {  	[tilespmem:s13], [sflag:$0x1] =	stream.indirect_vreg.gather [hbm:s2], $0x80, v0, vm0, $0x38;
	[tilespmem:$0x4080] =	vst v63  }
0x25: {  	s14 =	simm.s32 $0x2480;
	s31 =	simm.s32 $0x10  }
0x26: {  	[tilespmem:s14], [sflag:$0x1] =	stream.indirect_vreg.gather [hbm:s2], $0x80, v0, vm1, $0x38;
	[tilespmem:$0x4080] =	vst v63  }
0x27: {  	s14 =	simm.s32 $0x80;
	v0 =	vld.msk [tilespmem:s31+$0x40 ss:$0x1], $0xffff  }
.LBB2_5:
0x28: {  	p0 =	sne.s32 s14, $0xC0;
	_ =	sdelay $0x4  }
0x29: {  	v1 =	vshll.u32 v0, $0x5  }
0x2a: {  	vm2 =	veq.s32 v0, $0x80000000;
	v0 =	vshll.u32 v0, $0x11;
	v1 =	vand.u32 $0x1FF80, v1  }
0x2b: {  	v0 =	vand.u32 $0x60000, v0;
	v1 =	vsel vm2, $0xFFFFFF80, v1  }
0x2c: {  	v0 =	vsel vm2, $0xFFFE0000, v0;
	v2 =	vand.u32 $0xFFFFFC00, v1  }
0x2d: {  	v1 =	vand.u32 $0x380, v1;
	v0 =	vadd.s32 v0, v2  }
0x2e: {  	v0 =	vor.u32 v1, v0  }
0x2f: {  	v0 =	vshrl.u32 v0, $0x3;
	_ =	sdelay $0x3  }
.Ltmp4:
0x30: {  	s13 =	sadd.s32 $0x800, s13;
	(pc) =	sbr.rel @p0 .LBB2_5-.Ltmp4, $4  }
0x31: {  	[tilespmem:s13], [sflag:$0x1] =	stream.indirect_vreg.gather [hbm:s2], $0x80, v0, vm0, $0x38;
	[tilespmem:$0x4080] =	vst v63  }
0x32: {  	s15 =	sshra.s32 s14, $0x2;
	s16 =	sadd.s32 $0x400, s13  }
0x33: {  	[tilespmem:s16], [sflag:$0x1] =	stream.indirect_vreg.gather [hbm:s2], $0x80, v0, vm1, $0x38;
	[tilespmem:$0x4080] =	vst v63  }
0x34: {  	s14 =	sadd.s32 $0x40, s14;
	v0 =	vld.msk [tilespmem:s15+$0x40 ss:$0x1], $0xffff  }
0x35: {  	_ =	sdelay $0x3  }
0x36: {  	v1 =	vshll.u32 v0, $0x5  }
0x37: {  	vm2 =	veq.s32 v0, $0x80000000;
	v63 =	vshll.u32 v0, $0x11;
	v1 =	vand.u32 $0x1FF80, v1  }
0x38: {  	v0 =	vand.u32 $0x60000, v63;
	v1 =	vsel vm2, $0xFFFFFF80, v1  }
0x39: {  	v0 =	vsel vm2, $0xFFFE0000, v0;
	v2 =	vand.u32 $0xFFFFFC00, v1  }
0x3a: {  	v1 =	vand.u32 $0x380, v1;
	v0 =	vadd.s32 v0, v2  }
0x3b: {  	v0 =	vor.u32 v1, v0  }
0x3c: {  	v0 =	vshrl.u32 v0, $0x3;
	_ =	sdelay $0x3  }
0x3d: {  	s13 =	sadd.s32 $0x800, s13  }
0x3e: {  	[tilespmem:s13], [sflag:$0x1] =	stream.indirect_vreg.gather [hbm:s2], $0x80, v0, vm0, $0x38;
	[tilespmem:$0x4080] =	vst v63  }
0x3f: {  	s13 =	sadd.s32 $0x400, s13  }
0x40: {  	[tilespmem:s13], [sflag:$0x1] =	stream.indirect_vreg.gather [hbm:s2], $0x80, v0, vm1, $0x38;
	[tilespmem:$0x4080] =	vst v63  }
0x41: {  	s12 =	sshll.u32 s12, $0x4;
	s14 =	simm.s32 $0x80;
	_ =	swait.ge [sflag:s4], $0x2000  }
0x42: {  	s15 =	simm.s32 $0x2480;
	s12 =	sadd.s32 s12, s7;
	[sflag:s4] =	ssyncset.done $0x0  }
0x43: {  	s16 =	sadd.s32 $0x0, s12;
	s13 =	simm.s32 $0x2080;
	[sflag:s4] =	ssyncadd.s32 $0xFFFFE000  }
.LBB2_7:
0x44: {  	[hbm:s16] =	stream.linear.scatter [tilespmem:s13], [sflag:$0x3], $0x400, $0x38;
	[tilespmem:$0x4080] =	vst v63  }
0x45: {  	s16 =	smov.u32 s14;
	s13 =	smov.u32 s15;
	p0 =	sne.s32 s14, $0x380  }
.Ltmp5:
0x46: {  	s14 =	sadd.s32 $0x80, s14;
	(pc) =	sbr.rel @p0 .LBB2_7-.Ltmp5, $2  }
0x47: {  	_ =	sdelay $0x2  }
0x48: {  	s15 =	sadd.s32 $0x400, s15;
	s16 =	sadd.s32 s16, s12  }
.Ltmp6:
0x49: {  	(pc) =	sbr.rel .LBB2_9-.Ltmp6, $2  }
0x4a: {  	_ =	sdelay $0x2  }
0x4b: {  	[hbm:s16] =	stream.linear.scatter [tilespmem:s13], [sflag:$0x3], $0x400, $0x38;
	[tilespmem:$0x4080] =	vst v63  }
.LBB2_2:
.Ltmp7:
0x4c: {  	(pc) =	sbr.rel .LBB2_10-.Ltmp7, $4  }
0x4d: {  	_ = 	snop  }
0x4e: {  	s12 =	sshrl.u32 s11, $0x3  }
0x4f: {  	s13 =	sand.u32 $0x7, s11;
	s12 =	sadd.s32 s3, s12  }
0x50: {  	[tilespmem:s9], [sflag:$0x2] =	stream.linear.gather [hbm4b:s12+s13], $0x40, $0x38;
	[tilespmem:$0x4080] =	vst v63  }
.LBB2_11:
0x51: {  	s2 =	simm.s32 $0x3  }
0x52: {  	_ =	swait.ge [sflag:s2], $0x2000  }
0x53: {  	[sflag:s2] =	ssyncset.done $0x0  }
0x54: {  	[sflag:s2] =	ssyncadd.s32 $0xFFFFE000  }
0x55: {  	_ =	sfence.sel $0x180000  }
0x56: {  	s3 =	simm.s32 $0x2;
	[bflag:$0x0] =	sbarrier.arrive $0xFFFF  }
0x57: {  	[sflag:s3] =	ssyncpa.u1 $0x1  }
0x58: {  	s31 =	simm.s32 $0x1;
	[sflag:s2] =	ssyncpa.u1 $0x1  }
0x59: {  	[sflag:s31] =	ssyncpa.u1 $0x1  }
0x5a: {  	p0 =	sne.s32 s1, $0x0;
	_ =	strace $0x90000047  }
0x5b: {  	s0 =	sadd.s32 @!p0 $0x100000, s0;
	[bflag:$0x2] =	sbarrier.arrive $0xFFFF  }
0x5c: {  	[sflag:s0] =	ssyncadd.tile.s32 @!p0 $0x1;
	_ =	shalt  }
.Lfunc_end2:
_tile_overlayer_lowered:
.L_overlay_start_2:
0x5d: {  	(tag) =	ssettag $0x2  }
0x5e: {  	s0 =	rddreg [dreg:$0x0];
	s2 =	stileid.u32  }
0x5f: {  	s1 =	rddreg [dreg:$0x1];
	p0 =	sne.s32 s2, $0x0  }
0x60: {  	s3 =	rddreg [dreg:$0x2];
	[bflag:$0x3] =	sbarrier.arrive $0xFFFF;
	s2 =	simm.s32 @!p0 $0x1C01  }
0x61: {  	[timem:s3], [sflag:s2] =	dma.local @!p0 [hbm:s0], s1  }
0x62: {  	s0 =	simm.s32 @!p0 $0x1  }
0x63: {  	_ =	swait.ge @!p0 [sflag:s0], s1  }
0x64: {  	s1 =	ssub.s32 @!p0 $0x0, s1;
	[sflag:s0] =	ssyncset.done @!p0 $0x0  }
0x65: {  	[sflag:s0] =	ssyncadd.s32 @!p0 s1  }
0x66: {  	[bflag:$0x3] =	sbarrier.arrive $0xFFFF  }
0x67: {  	_ =	shalt  }

// kernel: sparse-core-data-format-call.1.cloned.1.call-start
scs
called_computation.1_lowered:
.L_overlay_start_0:
0x0: {  	s1 =	sld [smem:$0x3FD9]  }
0x1: {  	s2 =	sld [smem:$0x3FFE];
	_ =	sdelay $0x1  }
0x2: {  	s3 =	srdreg.scid  }
0x3: {  	s0 =	sand.u32 $0x1, s3  }
0x4: {  	s17 =	sshll.u32 s0, $0xA;
	s1 =	sadd.s32 s2, s1  }
0x5: {  	s1 =	sadd.s32 s1, s17  }
0x6: {  	[smem:$0x3FA2] =	sst s1  }
0x7: {  	_ = 	snop  }
0x8: {  	(tm) =	ssettm $0x1  }
0x9: {  	s18 =	sld [smem:$0x3FFB];
	_ =	sdelay $0x3  }
0xa: {  	_ =	strace s18  }
0xb: {  	s1 =	sld [smem:$0x3FFC];
	_ =	sdelay $0x3  }
0xc: {  	_ =	strace s1  }
0xd: {  	s1 =	sld [smem:$0x3FFD];
	_ =	sdelay $0x3  }
0xe: {  	_ =	strace s1  }
0xf: {  	_ =	strace $0x8FFFFFFF  }
0x10: {  	s19 =	sld [smem:$0x3FDB];
	_ =	sdelay $0x1  }
0x11: {  	s20 =	simm.s32 $_scs_section_size  }
0x12: {  	s4 =	simm.s32 $_size__tile_overlayer_lowered;
	s5 =	simm.s32 $_tile_overlayer_lowered  }
0x13: {  	s23 =	simm.s32 $0x1BFF;
	s22 =	sshll.u32 s5, $0x1;
	s1 =	sadd.s32 s20, s19  }
0x14: {  	s6 =	simm.s32 $0x0;
	s21 =	sshll.u32 s4, $0x1;
	s4 =	sadd.s32 s22, s1  }
0x15: {  	[timem:s6], [sflag:s23] =	dma.local [hbm:s4], s21  }
0x16: {  	_ =	swait.ge [sflag:s23], s21  }
0x17: {  	s2 =	ssub.s32 $0x0, s21;
	[sflag:s23] =	ssyncset.done $0x0  }
0x18: {  	[sflag:s23] =	ssyncadd.s32 s2;
	_ =	sdelay $0x1  }
0x19: {  	s24 =	simm.s32 $0x1B8B  }
0x1a: {  	_ =	swait.ge [sflag:s24], $0x1  }
0x1b: {  	[sflag:s24] =	ssyncset.done $0x0  }
0x1c: {  	s26 =	simm.s32 $0x1B8E;
	s25 =	sld [smem:$0x3FFE];
	[sflag:s24] =	ssyncadd.s32 $0xFFFFFFFF  }
0x1d: {  	s27 =	simm.s32 $execute0_lowered;
	[smem:$0x3FD2] =	sst s26  }
0x1e: {  	s4 =	sshll.u32 s27, $0x1;
	_ =	strace $0x8000004F;
	[dreg:$0x1] =	wrdreg $0xFFFFFFFF  }
0x1f: {  	s28 =	simm.s32 $_size_execute0_lowered;
	s1 =	sadd.s32 s1, s4;
	[dreg:$0x0] =	wrdreg $0x0  }
0x20: {  	s4 =	sshll.u32 s28, $0x1;
	[dreg:$0x2] =	wrdreg s1  }
0x21: {  	[dreg:$0x3] =	wrdreg s4  }
0x22: {  	[dreg:$0x4] =	wrdreg $0xC0  }
0x23: {  	_ =	task [dreg:s6], $0x5FFFF  }
0x24: {  	[dreg:$0x1] =	wrdreg $0xFFFFFFFF  }
0x25: {  	[dreg:$0x0] =	wrdreg $0x60  }
0x26: {  	[dreg:$0x2] =	wrdreg s25  }
0x27: {  	[dreg:$0x3] =	wrdreg $0x9  }
0x28: {  	_ =	task.clear_ibuf [dreg:s6], $0x4FFFF;
	_ =	strace $0x9000004F  }
0x29: {  	s29 =	simm.s32 $0x9;
	_ =	strace $0x80000051  }
0x2a: {  	_ =	swait.ge [sflag:s29], $0x1  }
0x2b: {  	[sflag:s29] =	ssyncadd.s32 $0xFFFFFFFF  }
0x2c: {  	_ =	strace $0x90000051  }
0x2d: {  	_ =	sfence  }
0x2e: {  	s30 =	sld [smem:$0x0];
	_ =	sdelay $0x2  }
0x2f: {  	s31 =	sshll.u32 s3, $0xD;
	s3 =	sshrl.u32 s3, $0x2  }
0x30: {  	s2 =	sand.u32 $0x4000, s31;
	s1 =	sadd.s32 s3, s30  }
0x31: {  	s0 =	sor.u32 s2, s0;
	s1 =	sshll.u32 s1, $0x11  }
0x32: {  	s0 =	sor.u32 s1, s0  }
0x33: {  	s0 =	sadd.s32 $0x8F2B, s0  }
0x34: {  	[sflag:s0] =	ssyncadd.remote.s32 $0x1  }
0x35: {  	_ =	sfence.sel $0xFFFF  }
0x36: {  	[dreg:$0x0] =	wrdreg $0xFFFFFFFF;
	(pc) =	sbr.abs _section_cstart, $3  }
0x37: {  	[dreg:$0x1] =	wrdreg $0xFFFFFFFF  }
0x38: {  	_ =	task.clear_ibuf [dreg:s6], $0x2FFFF;
	_ =	strace $0x9FFFFFFF  }
0x39: {  	(tm) =	ssettm $0x7FFFFFFF  }
tec
execute0_lowered:
.L_overlay_start_1:
0x0: {  	(tag) =	ssettag $0x1  }
0x1: {  	s0 =	srdreg.scid;
	s7 =	rddreg [dreg:$0x0];
	s6 =	simm.s32 $0x1  }
0x2: {  	s5 =	simm.s32 $0x1;
	s31 =	simm.s32 $0x2;
	s1 =	sshll.u32 s0, $0x4  }
0x3: {  	s15 =	simm.s32 $0x0;
	s0 =	stileid.u32;
	s1 =	sand.u32 $0x10, s1  }
0x4: {  	s9 =	simm.s32 $0x80;
	s10 =	simm.s32 $0x8000;
	s1 =	sor.u32 s0, s1  }
0x5: {  	s16 =	simm.s32 $0x0;
	s17 =	simm.s32 $0x0;
	s2 =	sshll.u32 s1, $0x1  }
0x6: {  	s11 =	simm.s32 $0x0;
	s12 =	simm.s32 $0x0;
	s4 =	ssub.s32 $0x80, s2  }
0x7: {  	s14 =	simm.s32 $0x0;
	s1 =	rddreg [dreg:$0x1];
	s3 =	sand.u32 $0x3E, s4  }
.Ltmp0:
0x8: {  	_ =	strace $0x80000050;
	p0 =	sne.s32 s3, $0x0;
	(pc) =	sbr.rel .LBB1_1-.Ltmp0, $4  }
0x9: {  	[sflag:s5] =	ssyncpa.u1 $0x0;
	s8 =	sshrl.u32 s4, $0x6;
	s6 =	simm.s32 @!p0 $0x0  }
0xa: {  	s13 =	smov.u32 s2;
	s4 =	sadd.s32 $0xBC00, s7;
	s6 =	sadd.s32 s6, s8  }
0xb: {  	[sflag:s31] =	ssyncpa.u1 $0x0;
	s3 =	sadd.s32 $0x20BC00, s7;
	s6 =	sshll.u32 s6, $0x3  }
0xc: {  	s7 =	sadd.s32 $0x20FC00, s7;
	p0 =	por $0x0, $0x0;
	s8 =	sor.u32 $0x1, s6  }
.LBB1_7:
0xd: {  	s18 =	sadd.s32 $0x2, s11  }
0xe: {  	s15 =	simm.s32 $0x1;
	p2 =	sgt.s32 s18, $0x3  }
0xf: {  	s15 =	simm.s32 @!p2 $0x0  }
0x10: {  	s19 =	sadd.s32 s15, s12  }
0x11: {  	s21 =	smov.u32 s13;
	s15 =	sadd.s32 $0x40, s13;
	p3 =	sgt.s32 s19, $0x3  }
0x12: {  	s21 =	smov.u32 @p3 s15  }
0x13: {  	p1 =	slt.u32 s14, $0x2;
	s18 =	simm.s32 @p2 $0x0;
	p2 =	sgt.s32 s21, $0x7F  }
0x14: {  	s20 =	simm.s32 @!p1 $0x2;
	s21 =	smov.u32 @p2 s2;
	p2 =	sne.s32 s14, s8  }
.Ltmp1:
0x15: {  	_ =	swait.ge @!p1 [sflag:s20], $0x4000;
	(pc) =	sbr.rel @!p2 .LBB1_8-.Ltmp1, $4  }
0x16: {  	s16 =	smov.u32 s12;
	[sflag:s20] =	ssyncset.done @!p1 $0x0  }
0x17: {  	s17 =	smov.u32 s13;
	p0 =	por !p0, !p0;
	[sflag:s20] =	ssyncadd.s32 @!p1 $0xFFFFC000  }
0x18: {  	s19 =	simm.s32 @p3 $0x0;
	s15 =	smov.u32 s11;
	s11 =	smov.u32 s18  }
0x19: {  	s12 =	smov.u32 s19;
	s14 =	sadd.s32 $0x1, s14;
	s13 =	smov.u32 s21  }
.LBB1_1:
0x1a: {  	p1 =	sge.u32 s14, s6  }
0x1b: {  	s18 =	sshll.u32 @!p1 s13, $0xE  }
0x1c: {  	s19 =	sshll.u32 @!p1 s12, $0xC;
	s21 =	sxor.u32 @!p1 $0xFFFFFFFF, s14;
	s22 =	sshll.u32 @!p1 s11, $0xA  }
0x1d: {  	s23 =	simm.s32 @!p1 $0x40;
	s24 =	simm.s32 @!p1 $0x80;
	s20 =	sadd.s32 @!p1 s3, s18  }
0x1e: {  	s21 =	sshll.u32 @!p1 s21, $0xE;
	s18 =	sadd.s32 @!p1 s18, s7;
	s20 =	sadd.s32 @!p1 s19, s20  }
0x1f: {  	s21 =	sand.u32 @!p1 $0x4000, s21;
	s18 =	sadd.s32 @!p1 s19, s18;
	s20 =	sadd.s32 @!p1 s22, s20  }
0x20: {  	[tilespmem:s21], [sflag:$0x1] =	stream.strided.gather @!p1 [hbm4b:s20+s23], $0x2000, s24, s23, $0x38;
	[tilespmem:$0x10100] =	vst v63  }
0x21: {  	s31 =	sadd.s32 $0xFFFFFFFF, s14;
	s18 =	sadd.s32 @!p1 s22, s18;
	s19 =	sor.u32 @!p1 $0x2000, s21  }
0x22: {  	[tilespmem:s19], [sflag:$0x1] =	stream.strided.gather @!p1 [hbm4b:s18+s23], $0x2000, s24, s23, $0x38;
	[tilespmem:$0x10100] =	vst v63  }
0x23: {  	p1 =	sge.u32 s31, s6  }
.Ltmp2:
0x24: {  	_ = 	snop;
	(pc) =	sbr.rel @p1 .LBB1_7-.Ltmp2, $1  }
0x25: {  	_ =	sdelay $0x3  }
0x26: {  	s18 =	simm.s32 $0x1;
	s20 =	sand.u32 $0x1, s14  }
0x27: {  	_ =	swait.ge [sflag:s5], $0x4000;
	s18 =	simm.s32 @!p0 $0x0;
	s20 =	smul.u32 $0x10200, s20  }
0x28: {  	p2 =	por $0x1, $0x1;
	[sflag:s5] =	ssyncset.done $0x0;
	s19 =	smul.u32 $0x10200, s18  }
0x29: {  	s21 =	sshll.u32 s18, $0x10;
	[sflag:s5] =	ssyncadd.s32 $0xFFFFC000;
	s30 =	sshrl.u32 s20, $0x2  }
0x2a: {  	s31 =	sshrl.u32 s21, $0x2;
	s21 =	simm.s32 $0x0;
	s19 =	sshrl.u32 s19, $0x2  }
0x2b: {  	s18 =	sor.u32 $0x8000, s30;
	s20 =	sadd.s32 $0x2000, s31;
	s19 =	sadd.s32 $0x9831, s19  }
.LBB1_3:
0x2c: {  	s22 =	sshll.u32 s21, $0xC  }
0x2d: {  	s22 =	sand.u32 $0x3FFFF000, s22  }
0x2e: {  	s22 =	sadd.s32 s22, s20  }
0x2f: {  	v0 =	vld [tilespmem:s22+$0xFFFFE030]  }
0x30: {  	v1 =	vld [tilespmem:s22+$0x30]  }
0x31: {  	v2 =	vld [tilespmem:s22+$0x0]  }
0x32: {  	v3 =	vld [tilespmem:s22+$0xFFFFE010]  }
0x33: {  	v4 =	vld [tilespmem:s22+$0x10]  }
0x34: {  	v5 =	vld [tilespmem:s22+$0xFFFFE020]  }
0x35: {  	v6 =	vld [tilespmem:s22+$0x20]  }
0x36: {  	v9 =	vld [tilespmem:s22+$0xFFFFE000];
	s22 =	sadd.s32 $0x40, s22  }
0x37: {  	s31 =	smul.u32 $0x8100, s21;
	v12 =	vld [tilespmem:s22+$0x30];
	v7 =	vunpack.i.l.s16.s32 v0;
	v8 =	vunpack.i.l.s16.s32 v1  }
0x38: {  	v0 =	vunpack.i.u.s16.s32 v0;
	v1 =	vunpack.i.u.s16.s32 v1;
	v10 =	vunpack.i.u.s16.s32 v2  }
0x39: {  	s21 =	sshra.s32 s31, $0x2;
	v11 =	vunpack.i.l.s16.s32 v2;
	v13 =	vunpack.i.u.s16.s32 v3;
	v3 =	vunpack.i.l.s16.s32 v3  }
0x3a: {  	s21 =	sadd.s32 s21, s19;
	v14 =	vunpack.i.u.s16.s32 v4;
	v4 =	vunpack.i.l.s16.s32 v4;
	v7 =	vpack.i.b32.b16 v8, v7;
	v8 =	vld [tilespmem:s22+$0xFFFFE030]  }
0x3b: {  	v2 =	vld [tilespmem:s22+$0xFFFFE010];
	v15 =	vunpack.i.u.s16.s32 v6;
	v1 =	vpack.i.b32.b16 v1, v0;
	v13 =	vpack.i.b32.b16 v14, v13;
	[tilespmem:s21+$0xFFFFFFFF ss:$0x81] =	vst.msk $0xffff, v7  }
0x3c: {  	v0 =	vld [tilespmem:s22+$0x0];
	v63 =	vunpack.i.l.s16.s32 v12;
	v7 =	vunpack.i.u.s16.s32 v5;
	[tilespmem:s21+$0x0 ss:$0x81] =	vst.msk $0xffff, v1;
	v1 =	vpack.i.b32.b16 v4, v3  }
0x3d: {  	v3 =	vunpack.i.l.s16.s32 v6;
	v4 =	vld [tilespmem:s22+$0x10];
	v6 =	vunpack.i.u.s16.s32 v9;
	v9 =	vunpack.i.l.s16.s32 v9;
	[tilespmem:s21+$0xFFFFEFDF ss:$0x81] =	vst.msk $0xffff, v1  }
0x3e: {  	v5 =	vunpack.i.l.s16.s32 v5;
	v7 =	vpack.i.b32.b16 v15, v7;
	v1 =	vld [tilespmem:s22+$0xFFFFE020];
	v9 =	vpack.i.b32.b16 v11, v9;
	[tilespmem:s21+$0xFFFFEFE0 ss:$0x81] =	vst.msk $0xffff, v13  }
0x3f: {  	p1 =	por p2, p2;
	v11 =	vpack.i.b32.b16 v10, v6;
	v6 =	vpack.i.b32.b16 v3, v5;
	v3 =	vld [tilespmem:s22+$0x20];
	[tilespmem:s21+$0xFFFFE7CF ss:$0x81] =	vst.msk $0xffff, v9;
	v10 =	vunpack.i.l.s16.s32 v8  }
0x40: {  	s23 =	simm.s32 $0x2;
	s24 =	sadd.s32 $0x40, s22;
	v5 =	vld [tilespmem:s22+$0xFFFFE000];
	s22 =	sadd.s32 $0x2, s21;
	v9 =	vunpack.i.u.s16.s32 v12;
	v8 =	vunpack.i.u.s16.s32 v8;
	[tilespmem:s21+$0xFFFFE7D0 ss:$0x81] =	vst.msk $0xffff, v11;
	v10 =	vpack.i.b32.b16 v63, v10  }
.LBB1_4:
0x41: {  	v11 =	vld [tilespmem:s24+$0xFFFFE030];
	v12 =	vunpack.i.u.s16.s32 v0;
	v13 =	vunpack.i.l.s16.s32 v0;
	[tilespmem:s22+$0xFFFFFFFF ss:$0x81] =	vst.msk $0xffff, v10;
	v0 =	vpack.i.b32.b16 v9, v8  }
0x42: {  	v8 =	vunpack.i.u.s16.s32 v2;
	v10 =	vunpack.i.l.s16.s32 v2;
	s23 =	sadd.s32 $0x2, s23;
	v9 =	vld [tilespmem:s24+$0x30];
	v14 =	vunpack.i.u.s16.s32 v4;
	[tilespmem:s22+$0x0 ss:$0x81] =	vst.msk $0xffff, v0  }
0x43: {  	v4 =	vunpack.i.l.s16.s32 v4;
	p2 =	slt.u32 s23, $0x7E;
	v0 =	vld [tilespmem:s24+$0x0];
	v15 =	vunpack.i.u.s16.s32 v1;
	v16 =	vunpack.i.l.s16.s32 v1;
	[tilespmem:s21+$0xFFFFF7EF ss:$0x81] =	vst.msk $0xffff, v6  }
.Ltmp3:
0x44: {  	v1 =	vpack.i.b32.b16 v4, v10;
	v2 =	vld [tilespmem:s24+$0xFFFFE010];
	v10 =	vunpack.i.u.s16.s32 v3;
	v3 =	vunpack.i.l.s16.s32 v3;
	[tilespmem:s21+$0xFFFFF7F0 ss:$0x81] =	vst.msk $0xffff, v7;
	s21 =	smov.u32 s22;
	(pc) =	sbr.rel @p2 .LBB1_4-.Ltmp3, $4  }
0x45: {  	v7 =	vpack.i.b32.b16 v14, v8;
	v4 =	vld [tilespmem:s24+$0x10];
	v6 =	vunpack.i.u.s16.s32 v5;
	v5 =	vunpack.i.l.s16.s32 v5;
	[tilespmem:s22+$0xFFFFEFDF ss:$0x81] =	vst.msk $0xffff, v1  }
0x46: {  	v1 =	vld [tilespmem:s24+$0xFFFFE020];
	v5 =	vpack.i.b32.b16 v13, v5;
	v12 =	vpack.i.b32.b16 v12, v6;
	[tilespmem:s22+$0xFFFFEFE0 ss:$0x81] =	vst.msk $0xffff, v7;
	v6 =	vpack.i.b32.b16 v3, v16  }
0x47: {  	v13 =	vunpack.i.l.s16.s32 v11;
	v7 =	vpack.i.b32.b16 v10, v15;
	v3 =	vld [tilespmem:s24+$0x20];
	v14 =	vunpack.i.l.s16.s32 v9;
	[tilespmem:s22+$0xFFFFE7CF ss:$0x81] =	vst.msk $0xffff, v5  }
0x48: {  	v8 =	vunpack.i.u.s16.s32 v11;
	v9 =	vunpack.i.u.s16.s32 v9;
	s22 =	sadd.s32 $0x2, s22;
	v5 =	vld [tilespmem:s24+$0xFFFFE000];
	v10 =	vpack.i.b32.b16 v14, v13;
	s24 =	sadd.s32 $0x40, s24;
	[tilespmem:s21+$0xFFFFE7D0 ss:$0x81] =	vst.msk $0xffff, v12  }
0x49: {  	[tilespmem:s22+$0xFFFFFFFF ss:$0x81] =	vst.msk $0xffff, v10  }
0x4a: {  	v8 =	vpack.i.b32.b16 v9, v8;
	[tilespmem:s21+$0xFFFFF7EF ss:$0x81] =	vst.msk $0xffff, v6  }
0x4b: {  	v49 =	vunpack.i.l.s16.s32 v2;
	[tilespmem:s22+$0x0 ss:$0x81] =	vst.msk $0xffff, v8;
	v50 =	vunpack.i.l.s16.s32 v4  }
0x4c: {  	v51 =	vunpack.i.u.s16.s32 v2;
	v52 =	vunpack.i.u.s16.s32 v4;
	[tilespmem:s21+$0xFFFFF7F0 ss:$0x81] =	vst.msk $0xffff, v7;
	v53 =	vpack.i.b32.b16 v50, v49  }
0x4d: {  	v2 =	vpack.i.b32.b16 v52, v51;
	v59 =	vunpack.i.l.s16.s32 v1;
	[tilespmem:s22+$0xFFFFEFDF ss:$0x81] =	vst.msk $0xffff, v53;
	v60 =	vunpack.i.l.s16.s32 v3  }
.Ltmp4:
0x4e: {  	v54 =	vunpack.i.l.s16.s32 v0;
	v55 =	vunpack.i.l.s16.s32 v5;
	[tilespmem:s22+$0xFFFFEFE0 ss:$0x81] =	vst.msk $0xffff, v2;
	v2 =	vpack.i.b32.b16 v60, v59;
	(pc) =	sbr.rel @p1 .LBB1_3-.Ltmp4, $4  }
0x4f: {  	v61 =	vunpack.i.u.s16.s32 v1;
	v62 =	vunpack.i.u.s16.s32 v3;
	v58 =	vpack.i.b32.b16 v54, v55;
	[tilespmem:s22+$0xFFFFF7EF ss:$0x81] =	vst.msk $0xffff, v2  }
0x50: {  	v56 =	vunpack.i.u.s16.s32 v0;
	v57 =	vunpack.i.u.s16.s32 v5;
	v63 =	vpack.i.b32.b16 v62, v61;
	[tilespmem:s22+$0xFFFFE7CF ss:$0x81] =	vst.msk $0xffff, v58  }
0x51: {  	v0 =	vpack.i.b32.b16 v56, v57;
	[tilespmem:s22+$0xFFFFF7F0 ss:$0x81] =	vst.msk $0xffff, v63  }
0x52: {  	p2 =	por $0x0, $0x0;
	s21 =	simm.s32 $0x1;
	[tilespmem:s22+$0xFFFFE7D0 ss:$0x81] =	vst.msk $0xffff, v0  }
.Ltmp5:
0x53: {  	s16 =	sshll.u32 s16, $0xA;
	s17 =	sshll.u32 s17, $0x3;
	(pc) =	sbr.rel .LBB1_7-.Ltmp5, $4  }
0x54: {  	s17 =	sand.u32 $0x3F0, s17;
	s16 =	sadd.s32 s4, s16  }
0x55: {  	s15 =	sshll.u32 s15, $0x12;
	s16 =	sadd.s32 s17, s16  }
0x56: {  	s15 =	sadd.s32 s15, s16  }
0x57: {  	[hbm4b:s15+s9] =	stream.strided.scatter [tilespmem:s18], [sflag:$0x2], $0x4000, s10, s9, $0x20;
	[tilespmem:$0x10100] =	vst v63  }
.LBB1_8:
0x58: {  	_ =	sfence.sel $0x180000  }
0x59: {  	s2 =	simm.s32 $0x1;
	[bflag:$0x0] =	sbarrier.arrive $0xFFFF  }
0x5a: {  	s31 =	simm.s32 $0x2;
	[sflag:s2] =	ssyncpa.u1 $0x1  }
0x5b: {  	[sflag:s31] =	ssyncpa.u1 $0x1  }
0x5c: {  	p0 =	sne.s32 s0, $0x0;
	_ =	strace $0x90000050  }
0x5d: {  	s0 =	sadd.s32 @!p0 $0x100000, s1;
	[bflag:$0x2] =	sbarrier.arrive $0xFFFF  }
0x5e: {  	[sflag:s0] =	ssyncadd.tile.s32 @!p0 $0x1;
	_ =	shalt  }
.Lfunc_end1:
_tile_overlayer_lowered:
.L_overlay_start_2:
0x5f: {  	(tag) =	ssettag $0x2  }
0x60: {  	s0 =	rddreg [dreg:$0x0];
	s2 =	stileid.u32  }
0x61: {  	s1 =	rddreg [dreg:$0x1];
	p0 =	sne.s32 s2, $0x0  }
0x62: {  	s3 =	rddreg [dreg:$0x2];
	[bflag:$0x3] =	sbarrier.arrive $0xFFFF;
	s2 =	simm.s32 @!p0 $0x1C01  }
0x63: {  	[timem:s3], [sflag:s2] =	dma.local @!p0 [hbm:s0], s1  }
0x64: {  	s0 =	simm.s32 @!p0 $0x1  }
0x65: {  	_ =	swait.ge @!p0 [sflag:s0], s1  }
0x66: {  	s1 =	ssub.s32 @!p0 $0x0, s1;
	[sflag:s0] =	ssyncset.done @!p0 $0x0  }
0x67: {  	[sflag:s0] =	ssyncadd.s32 @!p0 s1  }
0x68: {  	[bflag:$0x3] =	sbarrier.arrive $0xFFFF  }
0x69: {  	_ =	shalt  }

// kernel: sparse-core-data-format-call.2.cloned.1.call-start
scs
called_computation.2_lowered:
.L_overlay_start_0:
0x0: {  	s1 =	sld [smem:$0x3FD9]  }
0x1: {  	s2 =	sld [smem:$0x3FFE];
	_ =	sdelay $0x1  }
0x2: {  	s3 =	srdreg.scid  }
0x3: {  	s0 =	sand.u32 $0x1, s3  }
0x4: {  	s17 =	sshll.u32 s0, $0xA;
	s1 =	sadd.s32 s2, s1  }
0x5: {  	s1 =	sadd.s32 s1, s17  }
0x6: {  	[smem:$0x3FA2] =	sst s1  }
0x7: {  	_ = 	snop  }
0x8: {  	(tm) =	ssettm $0x1  }
0x9: {  	s18 =	sld [smem:$0x3FFB];
	_ =	sdelay $0x3  }
0xa: {  	_ =	strace s18  }
0xb: {  	s1 =	sld [smem:$0x3FFC];
	_ =	sdelay $0x3  }
0xc: {  	_ =	strace s1  }
0xd: {  	s1 =	sld [smem:$0x3FFD];
	_ =	sdelay $0x3  }
0xe: {  	_ =	strace s1  }
0xf: {  	_ =	strace $0x8FFFFFFF  }
0x10: {  	s19 =	sld [smem:$0x3FDB];
	_ =	sdelay $0x1  }
0x11: {  	s20 =	simm.s32 $_scs_section_size  }
0x12: {  	s4 =	simm.s32 $_size__tile_overlayer_lowered;
	s5 =	simm.s32 $_tile_overlayer_lowered  }
0x13: {  	s23 =	simm.s32 $0x1BFF;
	s22 =	sshll.u32 s5, $0x1;
	s1 =	sadd.s32 s20, s19  }
0x14: {  	s6 =	simm.s32 $0x0;
	s21 =	sshll.u32 s4, $0x1;
	s4 =	sadd.s32 s22, s1  }
0x15: {  	[timem:s6], [sflag:s23] =	dma.local [hbm:s4], s21  }
0x16: {  	_ =	swait.ge [sflag:s23], s21  }
0x17: {  	s2 =	ssub.s32 $0x0, s21;
	[sflag:s23] =	ssyncset.done $0x0  }
0x18: {  	[sflag:s23] =	ssyncadd.s32 s2;
	_ =	sdelay $0x1  }
0x19: {  	s24 =	simm.s32 $0x1B8B  }
0x1a: {  	_ =	swait.ge [sflag:s24], $0x1  }
0x1b: {  	[sflag:s24] =	ssyncset.done $0x0  }
0x1c: {  	s26 =	simm.s32 $0x1B8E;
	s25 =	sld [smem:$0x3FFE];
	[sflag:s24] =	ssyncadd.s32 $0xFFFFFFFF  }
0x1d: {  	s27 =	simm.s32 $execute0_lowered;
	[smem:$0x3FD2] =	sst s26  }
0x1e: {  	s4 =	sshll.u32 s27, $0x1;
	_ =	strace $0x8000004C;
	[dreg:$0x1] =	wrdreg $0xFFFFFFFF  }
0x1f: {  	s28 =	simm.s32 $_size_execute0_lowered;
	s1 =	sadd.s32 s1, s4;
	[dreg:$0x0] =	wrdreg $0x0  }
0x20: {  	s4 =	sshll.u32 s28, $0x1;
	[dreg:$0x2] =	wrdreg s1  }
0x21: {  	[dreg:$0x3] =	wrdreg s4  }
0x22: {  	[dreg:$0x4] =	wrdreg $0xC0  }
0x23: {  	_ =	task [dreg:s6], $0x5FFFF  }
0x24: {  	[dreg:$0x1] =	wrdreg $0xFFFFFFFF  }
0x25: {  	[dreg:$0x0] =	wrdreg $0x60  }
0x26: {  	[dreg:$0x2] =	wrdreg s25  }
0x27: {  	[dreg:$0x3] =	wrdreg $0x9  }
0x28: {  	_ =	task.clear_ibuf [dreg:s6], $0x4FFFF;
	_ =	strace $0x9000004C  }
0x29: {  	s29 =	simm.s32 $0x9;
	_ =	strace $0x8000004E  }
0x2a: {  	_ =	swait.ge [sflag:s29], $0x1  }
0x2b: {  	[sflag:s29] =	ssyncadd.s32 $0xFFFFFFFF  }
0x2c: {  	_ =	strace $0x9000004E  }
0x2d: {  	_ =	sfence  }
0x2e: {  	s30 =	sld [smem:$0x0];
	_ =	sdelay $0x2  }
0x2f: {  	s31 =	sshll.u32 s3, $0xD;
	s3 =	sshrl.u32 s3, $0x2  }
0x30: {  	s2 =	sand.u32 $0x4000, s31;
	s1 =	sadd.s32 s3, s30  }
0x31: {  	s0 =	sor.u32 s2, s0;
	s1 =	sshll.u32 s1, $0x11  }
0x32: {  	s0 =	sor.u32 s1, s0  }
0x33: {  	s0 =	sadd.s32 $0x8F2B, s0  }
0x34: {  	[sflag:s0] =	ssyncadd.remote.s32 $0x1  }
0x35: {  	_ =	sfence.sel $0xFFFF  }
0x36: {  	[dreg:$0x0] =	wrdreg $0xFFFFFFFF;
	(pc) =	sbr.abs _section_cstart, $3  }
0x37: {  	[dreg:$0x1] =	wrdreg $0xFFFFFFFF  }
0x38: {  	_ =	task.clear_ibuf [dreg:s6], $0x2FFFF;
	_ =	strace $0x9FFFFFFF  }
0x39: {  	(tm) =	ssettm $0x7FFFFFFF  }
tec
execute0_lowered:
.L_overlay_start_1:
0x0: {  	(tag) =	ssettag $0x1  }
0x1: {  	s0 =	srdreg.scid;
	s4 =	rddreg [dreg:$0x0]  }
0x2: {  	s7 =	simm.s32 $0x1;
	s8 =	simm.s32 $0x2;
	s1 =	sshll.u32 s0, $0x4  }
0x3: {  	s13 =	simm.s32 $0x0;
	s0 =	stileid.u32;
	s1 =	sand.u32 $0x10, s1  }
0x4: {  	s12 =	simm.s32 $0x0;
	s9 =	simm.s32 $0x0;
	s1 =	sor.u32 s0, s1  }
0x5: {  	s11 =	simm.s32 $0x0;
	s3 =	sadd.s32 $0xBC00, s4;
	s2 =	sshll.u32 s1, $0x7  }
0x6: {  	s4 =	sadd.s32 $0x10BC00, s4;
	s1 =	rddreg [dreg:$0x1];
	s6 =	ssub.s32 $0x8000, s2  }
.Ltmp0:
0x7: {  	_ =	strace $0x8000004D;
	s5 =	sand.u32 $0xF80, s6;
	(pc) =	sbr.rel .LBB1_1-.Ltmp0, $4  }
0x8: {  	s10 =	smov.u32 s2;
	p0 =	sne.s32 s5, $0x0;
	s5 =	simm.s32 $0x1  }
0x9: {  	s6 =	sshrl.u32 s6, $0xC;
	s7 =	simm.s32 @!p0 $0x0;
	[sflag:s5] =	ssyncpa.u1 $0x0  }
0xa: {  	p0 =	por $0x0, $0x0;
	s7 =	sadd.s32 s7, s6;
	[sflag:s8] =	ssyncpa.u1 $0x0  }
0xb: {  	s8 =	simm.s32 $0x20000;
	s6 =	sshll.u32 s7, $0x1;
	s7 =	sshllo.u32 s7, $0x1  }
.LBB1_4:
0xc: {  	[tilespmem:s17+$0x1 ss:$0x81] =	vst.msk $0xffff, v11;
	v7 =	vcombine.high v7, v9;
	v4 =	vperm.xlane.i2c.b16 v4;
	v48 =	vld [tilespmem:s16+$0x230]  }
0xd: {  	[tilespmem:s17+$0x810 ss:$0x81] =	vst.msk $0xffff, v12;
	v49 =	vcombine.low v8, v10;
	v2 =	vperm.xlane.i2c.b16 v2;
	v50 =	vld [tilespmem:s16+$0x240]  }
0xe: {  	v51 =	vcombine.high v8, v10;
	v52 =	vld [tilespmem:s16+$0x250];
	v0 =	vcombine.high v0, v1;
	[tilespmem:s17+$0x811 ss:$0x81] =	vst.msk $0xffff, v7  }
0xf: {  	v5 =	vperm.xlane.i2c.b16 v5;
	v3 =	vperm.xlane.i2c.b16 v3;
	[tilespmem:s17+$0x1020 ss:$0x81] =	vst.msk $0xffff, v49  }
0x10: {  	v54 =	vperm.xlane.i2c.b16 v6;
	v53 =	vcombine.low v4, v2;
	[tilespmem:s14+$0x3061 ss:$0x81] =	vst.msk $0xffff, v0  }
0x11: {  	v2 =	vcombine.high v4, v2;
	v55 =	vcombine.low v5, v3;
	[tilespmem:s17+$0x1021 ss:$0x81] =	vst.msk $0xffff, v51  }
0x12: {  	s15 =	sshll.u32 s13, $0xF;
	s29 =	sshll.u32 s12, $0x3;
	v57 =	vcombine.high v5, v3;
	[tilespmem:s17+$0x1830 ss:$0x81] =	vst.msk $0xffff, v53;
	v56 =	vperm.xlane.i2c.b16 v48  }
0x13: {  	s20 =	sshll.u32 s12, $0x1;
	s30 =	sshll.u32 s13, $0x7;
	s15 =	sand.u32 $0xFC0000, s15;
	[tilespmem:s17+$0x2040 ss:$0x81] =	vst.msk $0xffff, v55;
	v58 =	vperm.xlane.i2c.b16 v50;
	v60 =	vperm.xlane.i2c.b16 v52  }
0x14: {  	s18 =	sand.u32 $0xFFFC00, s29;
	s20 =	sand.u32 $0xF0, s20;
	s16 =	sand.u32 $0x7C00, s29;
	[tilespmem:s17+$0x1831 ss:$0x81] =	vst.msk $0xffff, v2;
	v59 =	vcombine.low v54, v56  }
0x15: {  	s13 =	sand.u32 $0x300, s30;
	s15 =	sadd.s32 s18, s15;
	s16 =	sor.u32 s16, s20;
	[tilespmem:s17+$0x2041 ss:$0x81] =	vst.msk $0xffff, v57;
	v62 =	vcombine.low v58, v60  }
0x16: {  	s13 =	sor.u32 s13, s16;
	s15 =	sand.u32 $0xFF8000, s15;
	v61 =	vcombine.high v54, v56;
	[tilespmem:s17+$0x2850 ss:$0x81] =	vst.msk $0xffff, v59  }
0x17: {  	s31 =	sand.u32 $0x7, s12;
	s13 =	sor.u32 s15, s13;
	v63 =	vcombine.high v58, v60;
	[tilespmem:s17+$0x3060 ss:$0x81] =	vst.msk $0xffff, v62  }
0x18: {  	s12 =	sshll.u32 s31, $0x12;
	s13 =	sshrl.u32 s13, $0x4;
	[tilespmem:s17+$0x2851 ss:$0x81] =	vst.msk $0xffff, v61  }
0x19: {  	s12 =	sor.u32 $0x200, s12;
	s13 =	sadd.s32 s4, s13;
	[tilespmem:s17+$0x3061 ss:$0x81] =	vst.msk $0xffff, v63  }
0x1a: {  	[hbm4b:s13+s12] =	stream.strided.scatter [tilespmem:s19], [sflag:$0x2], $0x4000, s8, s12, $0x20;
	[tilespmem:$0x10100] =	vst v63  }
.LBB1_5:
0x1b: {  	s14 =	sadd.s32 $0x100, s9  }
0x1c: {  	s12 =	sadd.s32 $0x1000, s10;
	s16 =	smov.u32 s10;
	p2 =	sgt.s32 s14, $0x1FF  }
0x1d: {  	s16 =	smov.u32 @p2 s12  }
0x1e: {  	s14 =	simm.s32 @p2 $0x0;
	p2 =	sgt.s32 s16, $0x7FFF  }
0x1f: {  	s16 =	smov.u32 @p2 s2;
	p2 =	sne.s32 s11, s7  }
.Ltmp1:
0x20: {  	p1 =	slt.u32 s11, $0x2;
	(pc) =	sbr.rel @!p2 .LBB1_6-.Ltmp1, $4  }
0x21: {  	s15 =	simm.s32 @!p1 $0x2  }
0x22: {  	s13 =	smov.u32 s9;
	p0 =	por !p0, !p0;
	_ =	swait.ge @!p1 [sflag:s15], $0x4000  }
0x23: {  	s12 =	smov.u32 s10;
	[sflag:s15] =	ssyncset.done @!p1 $0x0;
	s9 =	smov.u32 s14  }
0x24: {  	s11 =	sadd.s32 $0x1, s11;
	[sflag:s15] =	ssyncadd.s32 @!p1 $0xFFFFC000;
	s10 =	smov.u32 s16  }
.LBB1_1:
0x25: {  	p1 =	sge.u32 s11, s6  }
0x26: {  	s31 =	sadd.s32 $0xFFFFFFFF, s11;
	s14 =	sshll.u32 @!p1 s10, $0x9;
	s15 =	sshll.u32 @!p1 s9, $0x3  }
0x27: {  	s16 =	sshll.u32 @!p1 s10, $0x7;
	s17 =	sshll.u32 @!p1 s9, $0x1;
	s14 =	sand.u32 @!p1 $0xFFF000, s14  }
0x28: {  	s16 =	sand.u32 @!p1 $0x300, s16;
	s14 =	sadd.s32 @!p1 s14, s15;
	s15 =	sand.u32 @!p1 $0xF0, s17  }
0x29: {  	s17 =	simm.s32 @!p1 $0x800;
	s14 =	sand.u32 @!p1 $0xFFFC00, s14;
	s15 =	sor.u32 @!p1 s16, s15  }
0x2a: {  	s16 =	sand.u32 @!p1 $0x7, s9;
	s14 =	sor.u32 @!p1 s14, s15;
	s15 =	sxor.u32 @!p1 $0xFFFFFFFF, s11  }
0x2b: {  	s16 =	sshll.u32 @!p1 s16, $0x12;
	s14 =	sshrl.u32 @!p1 s14, $0x4;
	s15 =	sshll.u32 @!p1 s15, $0xE  }
0x2c: {  	s16 =	sor.u32 @!p1 $0x400, s16;
	s14 =	sadd.s32 @!p1 s3, s14;
	s15 =	sand.u32 @!p1 $0x4000, s15  }
0x2d: {  	[tilespmem:s15], [sflag:$0x1] =	stream.strided.gather @!p1 [hbm4b:s14+s16], $0x4000, s17, s16, $0x38;
	[tilespmem:$0x10100] =	vst v63  }
0x2e: {  	p1 =	sge.u32 s31, s6  }
.Ltmp2:
0x2f: {  	_ = 	snop;
	(pc) =	sbr.rel @p1 .LBB1_5-.Ltmp2, $1  }
0x30: {  	_ =	sdelay $0x3  }
0x31: {  	s17 =	sand.u32 $0x1, s11;
	s14 =	simm.s32 $0x0  }
0x32: {  	_ =	swait.ge [sflag:s5], $0x4000;
	s15 =	sshll.u32 s17, $0xE;
	s16 =	sand.u32 $0x3C00, s14  }
0x33: {  	[sflag:s5] =	ssyncset.done $0x0;
	s14 =	sand.u32 $0x180, s14;
	s16 =	sadd.s32 s16, s15  }
0x34: {  	[sflag:s5] =	ssyncadd.s32 $0xFFFFC000;
	s19 =	sadd.s32 s14, s16  }
0x35: {  	v0 =	vld [tilespmem:s19+$0x260]  }
0x36: {  	v1 =	vld [tilespmem:s19+$0x270]  }
0x37: {  	v2 =	vld [tilespmem:s19+$0x0]  }
0x38: {  	v3 =	vld [tilespmem:s19+$0x10]  }
0x39: {  	v4 =	vld [tilespmem:s19+$0x20]  }
0x3a: {  	s14 =	simm.s32 $0x1;
	v5 =	vld [tilespmem:s19+$0x30]  }
0x3b: {  	s14 =	simm.s32 @!p0 $0x0;
	v6 =	vld [tilespmem:s19+$0x40]  }
0x3c: {  	v7 =	vld [tilespmem:s19+$0x50];
	s14 =	smul.u32 $0x10200, s14;
	v1 =	vperm.xlane.i2c.b16 v1;
	v0 =	vperm.xlane.i2c.b16 v0  }
0x3d: {  	v8 =	vld [tilespmem:s19+$0x60];
	v2 =	vperm.xlane.i2c.b16 v2;
	v3 =	vperm.xlane.i2c.b16 v3  }
0x3e: {  	v10 =	vld [tilespmem:s19+$0x70];
	s14 =	sshrl.u32 s14, $0x2;
	v9 =	vcombine.low v0, v1;
	v0 =	vcombine.high v0, v1  }
0x3f: {  	s14 =	sor.u32 $0x8000, s14;
	v1 =	vperm.xlane.i2c.b16 v5;
	v5 =	vld [tilespmem:s19+$0x200];
	v11 =	vcombine.low v2, v3  }
0x40: {  	v4 =	vperm.xlane.i2c.b16 v4;
	v2 =	vcombine.high v2, v3;
	v3 =	vld [tilespmem:s19+$0x210];
	[tilespmem:s14+$0x3870 ss:$0x81] =	vst.msk $0xffff, v9  }
0x41: {  	s30 =	simm.s32 $0x100;
	v6 =	vperm.xlane.i2c.b16 v6;
	v7 =	vperm.xlane.i2c.b16 v7;
	v9 =	vld [tilespmem:s19+$0x220];
	[tilespmem:s14+$0x0 ss:$0x81] =	vst.msk $0xffff, v11  }
0x42: {  	s18 =	simm.s32 $0x80;
	s16 =	sand.u32 $0x3C00, s30;
	[tilespmem:s14+$0x3871 ss:$0x81] =	vst.msk $0xffff, v0;
	v0 =	vcombine.low v4, v1;
	v1 =	vcombine.high v4, v1;
	v4 =	vld [tilespmem:s19+$0x230]  }
0x43: {  	s20 =	sand.u32 $0x180, s18;
	s16 =	sadd.s32 s16, s15;
	[tilespmem:s14+$0x1 ss:$0x81] =	vst.msk $0xffff, v2;
	v2 =	vperm.xlane.i2c.b16 v8;
	v8 =	vperm.xlane.i2c.b16 v10;
	v10 =	vld [tilespmem:s19+$0x240]  }
0x44: {  	s16 =	sadd.s32 s20, s16;
	[tilespmem:s14+$0x810 ss:$0x81] =	vst.msk $0xffff, v0;
	v0 =	vcombine.low v6, v7;
	v6 =	vcombine.high v6, v7;
	v7 =	vld [tilespmem:s19+$0x250]  }
0x45: {  	v11 =	vcombine.low v2, v8;
	v2 =	vcombine.high v2, v8;
	v8 =	vld [tilespmem:s16+$0x0];
	[tilespmem:s14+$0x811 ss:$0x81] =	vst.msk $0xffff, v1  }
0x46: {  	v1 =	vperm.xlane.i2c.b16 v5;
	v5 =	vld [tilespmem:s16+$0x260];
	[tilespmem:s14+$0x1020 ss:$0x81] =	vst.msk $0xffff, v0;
	v0 =	vperm.xlane.i2c.b16 v3  }
0x47: {  	v3 =	vld [tilespmem:s16+$0x270];
	[tilespmem:s14+$0x1021 ss:$0x81] =	vst.msk $0xffff, v6;
	v6 =	vperm.xlane.i2c.b16 v9  }
0x48: {  	[tilespmem:s14+$0x1830 ss:$0x81] =	vst.msk $0xffff, v11;
	v11 =	vld [tilespmem:s16+$0x10];
	v4 =	vperm.xlane.i2c.b16 v4;
	v9 =	vcombine.low v1, v0  }
0x49: {  	v12 =	vcombine.high v1, v0;
	v0 =	vperm.xlane.i2c.b16 v10  }
0x4a: {  	[tilespmem:s14+$0x1831 ss:$0x81] =	vst.msk $0xffff, v2;
	v2 =	vld [tilespmem:s16+$0x20];
	v10 =	vcombine.low v6, v4;
	v1 =	vperm.xlane.i2c.b16 v7  }
0x4b: {  	v4 =	vcombine.high v6, v4;
	v8 =	vperm.xlane.i2c.b16 v8;
	[tilespmem:s14+$0x2040 ss:$0x81] =	vst.msk $0xffff, v9;
	v9 =	vld [tilespmem:s16+$0x30]  }
0x4c: {  	v6 =	vld [tilespmem:s16+$0x40];
	v5 =	vperm.xlane.i2c.b16 v5;
	[tilespmem:s14+$0x2041 ss:$0x81] =	vst.msk $0xffff, v12;
	v3 =	vperm.xlane.i2c.b16 v3  }
0x4d: {  	[tilespmem:s14+$0x2850 ss:$0x81] =	vst.msk $0xffff, v10;
	v10 =	vld [tilespmem:s16+$0x50];
	v12 =	vcombine.low v0, v1;
	v11 =	vperm.xlane.i2c.b16 v11  }
0x4e: {  	[tilespmem:s14+$0x2851 ss:$0x81] =	vst.msk $0xffff, v4;
	v4 =	vld [tilespmem:s16+$0x60];
	v13 =	vcombine.low v5, v3  }
0x4f: {  	s31 =	smul.u32 $0x10200, s17;
	s17 =	sadd.s32 $0x2, s14;
	v7 =	vperm.xlane.i2c.b16 v2;
	v2 =	vld [tilespmem:s16+$0x70];
	[tilespmem:s14+$0x3060 ss:$0x81] =	vst.msk $0xffff, v12;
	v12 =	vcombine.low v8, v11  }
0x50: {  	v14 =	vcombine.high v5, v3;
	v5 =	vld [tilespmem:s16+$0x200];
	v9 =	vperm.xlane.i2c.b16 v9;
	[tilespmem:s17+$0x3870 ss:$0x81] =	vst.msk $0xffff, v13  }
0x51: {  	s19 =	sshrl.u32 s31, $0x2;
	v11 =	vcombine.high v8, v11;
	v3 =	vld [tilespmem:s16+$0x210];
	v8 =	vperm.xlane.i2c.b16 v6;
	[tilespmem:s17+$0x0 ss:$0x81] =	vst.msk $0xffff, v12  }
0x52: {  	s21 =	simm.s32 $0x200;
	s20 =	simm.s32 $0x2;
	s19 =	sor.u32 $0x8000, s19;
	v6 =	vld [tilespmem:s16+$0x220];
	[tilespmem:s17+$0x3871 ss:$0x81] =	vst.msk $0xffff, v14;
	v10 =	vperm.xlane.i2c.b16 v10;
	v12 =	vcombine.low v7, v9  }
.LBB1_3:
0x53: {  	s22 =	sand.u32 $0x3C00, s21;
	[tilespmem:s17+$0x1 ss:$0x81] =	vst.msk $0xffff, v11;
	v7 =	vcombine.high v7, v9;
	v4 =	vperm.xlane.i2c.b16 v4;
	v9 =	vld [tilespmem:s16+$0x230];
	s18 =	sadd.s32 $0x80, s18  }
0x54: {  	v11 =	vcombine.low v8, v10;
	v2 =	vperm.xlane.i2c.b16 v2;
	s23 =	sand.u32 $0x180, s18;
	s22 =	sadd.s32 s22, s15;
	[tilespmem:s17+$0x810 ss:$0x81] =	vst.msk $0xffff, v12;
	v12 =	vld [tilespmem:s16+$0x240]  }
0x55: {  	s20 =	sadd.s32 $0x2, s20;
	v5 =	vperm.xlane.i2c.b16 v5;
	[tilespmem:s17+$0x811 ss:$0x81] =	vst.msk $0xffff, v7;
	v7 =	vcombine.high v8, v10;
	v8 =	vld [tilespmem:s16+$0x250];
	s16 =	sadd.s32 s23, s22  }
0x56: {  	v3 =	vperm.xlane.i2c.b16 v3;
	p1 =	slt.u32 s20, $0x7E;
	v10 =	vld [tilespmem:s16+$0x260];
	[tilespmem:s17+$0x1020 ss:$0x81] =	vst.msk $0xffff, v11;
	v11 =	vcombine.low v4, v2  }
0x57: {  	v2 =	vcombine.high v4, v2;
	v4 =	vperm.xlane.i2c.b16 v6;
	v13 =	vld [tilespmem:s16+$0x270];
	[tilespmem:s17+$0x1021 ss:$0x81] =	vst.msk $0xffff, v7  }
0x58: {  	v7 =	vcombine.low v5, v3;
	v6 =	vld [tilespmem:s16+$0x0];
	[tilespmem:s17+$0x1830 ss:$0x81] =	vst.msk $0xffff, v11;
	v9 =	vperm.xlane.i2c.b16 v9  }
0x59: {  	v11 =	vld [tilespmem:s16+$0x10];
	[tilespmem:s17+$0x1831 ss:$0x81] =	vst.msk $0xffff, v2;
	v2 =	vcombine.high v5, v3;
	v3 =	vperm.xlane.i2c.b16 v12  }
0x5a: {  	v5 =	vld [tilespmem:s16+$0x20];
	[tilespmem:s17+$0x2040 ss:$0x81] =	vst.msk $0xffff, v7;
	v7 =	vcombine.low v4, v9;
	v8 =	vperm.xlane.i2c.b16 v8  }
0x5b: {  	v12 =	vld [tilespmem:s16+$0x30];
	[tilespmem:s17+$0x2041 ss:$0x81] =	vst.msk $0xffff, v2;
	v2 =	vcombine.high v4, v9;
	v9 =	vcombine.high v0, v1;
	v0 =	vmov v3  }
0x5c: {  	v10 =	vperm.xlane.i2c.b16 v10;
	v3 =	vld [tilespmem:s16+$0x40];
	v13 =	vperm.xlane.i2c.b16 v13;
	[tilespmem:s17+$0x2850 ss:$0x81] =	vst.msk $0xffff, v7;
	v1 =	vmov v8  }
0x5d: {  	v6 =	vperm.xlane.i2c.b16 v6;
	v14 =	vld [tilespmem:s16+$0x50];
	[tilespmem:s17+$0x2851 ss:$0x81] =	vst.msk $0xffff, v2;
	v8 =	vcombine.low v0, v1  }
.Ltmp3:
0x5e: {  	v11 =	vperm.xlane.i2c.b16 v11;
	v4 =	vld [tilespmem:s16+$0x60];
	v15 =	vcombine.low v10, v13;
	[tilespmem:s14+$0x3061 ss:$0x81] =	vst.msk $0xffff, v9;
	s14 =	smov.u32 s17;
	(pc) =	sbr.rel @p1 .LBB1_3-.Ltmp3, $4  }
0x5f: {  	v10 =	vcombine.high v10, v13;
	s17 =	sadd.s32 $0x2, s17;
	v7 =	vperm.xlane.i2c.b16 v5;
	v2 =	vld [tilespmem:s16+$0x70];
	[tilespmem:s14+$0x3060 ss:$0x81] =	vst.msk $0xffff, v8  }
0x60: {  	v13 =	vcombine.low v6, v11;
	v9 =	vperm.xlane.i2c.b16 v12;
	v5 =	vld [tilespmem:s16+$0x200];
	[tilespmem:s17+$0x3870 ss:$0x81] =	vst.msk $0xffff, v15  }
0x61: {  	v11 =	vcombine.high v6, v11;
	v8 =	vperm.xlane.i2c.b16 v3;
	v3 =	vld [tilespmem:s16+$0x210];
	[tilespmem:s17+$0x3871 ss:$0x81] =	vst.msk $0xffff, v10  }
0x62: {  	s21 =	sadd.s32 $0x100, s21;
	[tilespmem:s17+$0x0 ss:$0x81] =	vst.msk $0xffff, v13;
	v12 =	vcombine.low v7, v9;
	v10 =	vperm.xlane.i2c.b16 v14;
	v6 =	vld [tilespmem:s16+$0x220]  }
.Ltmp4:
0x63: {  	_ = 	snop;
	(pc) =	sbr.rel .LBB1_4-.Ltmp4, $1  }
0x64: {  	_ =	sdelay $0x3  }
.LBB1_6:
0x65: {  	_ =	sfence.sel $0x180000  }
0x66: {  	s2 =	simm.s32 $0x1;
	[bflag:$0x0] =	sbarrier.arrive $0xFFFF  }
0x67: {  	s31 =	simm.s32 $0x2;
	[sflag:s2] =	ssyncpa.u1 $0x1  }
0x68: {  	[sflag:s31] =	ssyncpa.u1 $0x1  }
0x69: {  	p0 =	sne.s32 s0, $0x0;
	_ =	strace $0x9000004D  }
0x6a: {  	s0 =	sadd.s32 @!p0 $0x100000, s1;
	[bflag:$0x2] =	sbarrier.arrive $0xFFFF  }
0x6b: {  	[sflag:s0] =	ssyncadd.tile.s32 @!p0 $0x1;
	_ =	shalt  }
.Lfunc_end1:
_tile_overlayer_lowered:
.L_overlay_start_2:
0x6c: {  	(tag) =	ssettag $0x2  }
0x6d: {  	s0 =	rddreg [dreg:$0x0];
	s2 =	stileid.u32  }
0x6e: {  	s1 =	rddreg [dreg:$0x1];
	p0 =	sne.s32 s2, $0x0  }
0x6f: {  	s3 =	rddreg [dreg:$0x2];
	[bflag:$0x3] =	sbarrier.arrive $0xFFFF;
	s2 =	simm.s32 @!p0 $0x1C01  }
0x70: {  	[timem:s3], [sflag:s2] =	dma.local @!p0 [hbm:s0], s1  }
0x71: {  	s0 =	simm.s32 @!p0 $0x1  }
0x72: {  	_ =	swait.ge @!p0 [sflag:s0], s1  }
0x73: {  	s1 =	ssub.s32 @!p0 $0x0, s1;
	[sflag:s0] =	ssyncset.done @!p0 $0x0  }
0x74: {  	[sflag:s0] =	ssyncadd.s32 @!p0 s1  }
0x75: {  	[bflag:$0x3] =	sbarrier.arrive $0xFFFF  }
0x76: {  	_ =	shalt  }

// kernel: sparse-core-data-format-call.3.cloned.1.call-start
scs
called_computation.3_lowered:
.L_overlay_start_0:
0x0: {  	s1 =	sld [smem:$0x3FD9]  }
0x1: {  	s2 =	sld [smem:$0x3FFE];
	_ =	sdelay $0x1  }
0x2: {  	s3 =	srdreg.scid  }
0x3: {  	s0 =	sand.u32 $0x1, s3  }
0x4: {  	s17 =	sshll.u32 s0, $0xA;
	s1 =	sadd.s32 s2, s1  }
0x5: {  	s1 =	sadd.s32 s1, s17  }
0x6: {  	[smem:$0x3FA2] =	sst s1  }
0x7: {  	_ = 	snop  }
0x8: {  	(tm) =	ssettm $0x1  }
0x9: {  	s18 =	sld [smem:$0x3FFB];
	_ =	sdelay $0x3  }
0xa: {  	_ =	strace s18  }
0xb: {  	s1 =	sld [smem:$0x3FFC];
	_ =	sdelay $0x3  }
0xc: {  	_ =	strace s1  }
0xd: {  	s1 =	sld [smem:$0x3FFD];
	_ =	sdelay $0x3  }
0xe: {  	_ =	strace s1  }
0xf: {  	_ =	strace $0x8FFFFFFF  }
0x10: {  	s19 =	sld [smem:$0x3FDB];
	_ =	sdelay $0x1  }
0x11: {  	s20 =	simm.s32 $_scs_section_size  }
0x12: {  	s4 =	simm.s32 $_size__tile_overlayer_lowered;
	s5 =	simm.s32 $_tile_overlayer_lowered  }
0x13: {  	s23 =	simm.s32 $0x1BFF;
	s22 =	sshll.u32 s5, $0x1;
	s1 =	sadd.s32 s20, s19  }
0x14: {  	s6 =	simm.s32 $0x0;
	s21 =	sshll.u32 s4, $0x1;
	s4 =	sadd.s32 s22, s1  }
0x15: {  	[timem:s6], [sflag:s23] =	dma.local [hbm:s4], s21  }
0x16: {  	_ =	swait.ge [sflag:s23], s21  }
0x17: {  	s2 =	ssub.s32 $0x0, s21;
	[sflag:s23] =	ssyncset.done $0x0  }
0x18: {  	[sflag:s23] =	ssyncadd.s32 s2;
	_ =	sdelay $0x1  }
0x19: {  	s24 =	simm.s32 $0x1B8B  }
0x1a: {  	_ =	swait.ge [sflag:s24], $0x1  }
0x1b: {  	[sflag:s24] =	ssyncset.done $0x0  }
0x1c: {  	s26 =	simm.s32 $0x1B8E;
	s25 =	sld [smem:$0x3FFE];
	[sflag:s24] =	ssyncadd.s32 $0xFFFFFFFF  }
0x1d: {  	s27 =	simm.s32 $execute0_lowered;
	[smem:$0x3FD2] =	sst s26  }
0x1e: {  	s4 =	sshll.u32 s27, $0x1;
	_ =	strace $0x80000049;
	[dreg:$0x1] =	wrdreg $0xFFFFFFFF  }
0x1f: {  	s28 =	simm.s32 $_size_execute0_lowered;
	s1 =	sadd.s32 s1, s4;
	[dreg:$0x0] =	wrdreg $0x0  }
0x20: {  	s4 =	sshll.u32 s28, $0x1;
	[dreg:$0x2] =	wrdreg s1  }
0x21: {  	[dreg:$0x3] =	wrdreg s4  }
0x22: {  	[dreg:$0x4] =	wrdreg $0xC0  }
0x23: {  	_ =	task [dreg:s6], $0x5FFFF  }
0x24: {  	[dreg:$0x1] =	wrdreg $0xFFFFFFFF  }
0x25: {  	[dreg:$0x0] =	wrdreg $0x60  }
0x26: {  	[dreg:$0x2] =	wrdreg s25  }
0x27: {  	[dreg:$0x3] =	wrdreg $0x9  }
0x28: {  	_ =	task.clear_ibuf [dreg:s6], $0x4FFFF;
	_ =	strace $0x90000049  }
0x29: {  	s29 =	simm.s32 $0x9;
	_ =	strace $0x8000004B  }
0x2a: {  	_ =	swait.ge [sflag:s29], $0x1  }
0x2b: {  	[sflag:s29] =	ssyncadd.s32 $0xFFFFFFFF  }
0x2c: {  	_ =	strace $0x9000004B  }
0x2d: {  	_ =	sfence  }
0x2e: {  	s30 =	sld [smem:$0x0];
	_ =	sdelay $0x2  }
0x2f: {  	s31 =	sshll.u32 s3, $0xD;
	s3 =	sshrl.u32 s3, $0x2  }
0x30: {  	s2 =	sand.u32 $0x4000, s31;
	s1 =	sadd.s32 s3, s30  }
0x31: {  	s0 =	sor.u32 s2, s0;
	s1 =	sshll.u32 s1, $0x11  }
0x32: {  	s0 =	sor.u32 s1, s0  }
0x33: {  	s0 =	sadd.s32 $0x8F2B, s0  }
0x34: {  	[sflag:s0] =	ssyncadd.remote.s32 $0x1  }
0x35: {  	_ =	sfence.sel $0xFFFF  }
0x36: {  	[dreg:$0x0] =	wrdreg $0xFFFFFFFF;
	(pc) =	sbr.abs _section_cstart, $3  }
0x37: {  	[dreg:$0x1] =	wrdreg $0xFFFFFFFF  }
0x38: {  	_ =	task.clear_ibuf [dreg:s6], $0x2FFFF;
	_ =	strace $0x9FFFFFFF  }
0x39: {  	(tm) =	ssettm $0x7FFFFFFF  }
tec
execute0_lowered:
.L_overlay_start_1:
0x0: {  	(tag) =	ssettag $0x1  }
0x1: {  	s3 =	rddreg [dreg:$0x0]  }
0x2: {  	s0 =	rddreg [dreg:$0x1]  }
0x3: {  	s1 =	srdreg.scid;
	_ =	strace $0x8000004A;
	s7 =	simm.s32 $0x2  }
0x4: {  	s14 =	simm.s32 $0x0;
	p0 =	por $0x0, $0x0;
	s8 =	simm.s32 $0x1000  }
0x5: {  	s15 =	simm.s32 $0x0;
	s16 =	simm.s32 $0x0;
	s17 =	simm.s32 $0x0  }
0x6: {  	s10 =	simm.s32 $0x0;
	s11 =	simm.s32 $0x0;
	s9 =	simm.s32 $0x0  }
.Ltmp0:
0x7: {  	s4 =	sshll.u32 s1, $0x4;
	s2 =	sadd.s32 $0x18600, s3;
	(pc) =	sbr.rel .LBB1_1-.Ltmp0, $4  }
0x8: {  	s1 =	stileid.u32;
	s3 =	sadd.s32 $0x418600, s3;
	s4 =	sand.u32 $0x10, s4  }
0x9: {  	s5 =	sand.u32 $0x3, s1;
	s6 =	sor.u32 s1, s4;
	s4 =	simm.s32 $0x1  }
0xa: {  	s13 =	smov.u32 s5;
	[sflag:s4] =	ssyncpa.u1 $0x0;
	s6 =	sshrl.u32 s6, $0x2  }
0xb: {  	[sflag:s7] =	ssyncpa.u1 $0x0;
	s7 =	simm.s32 $0x80;
	s12 =	smov.u32 s6  }
.LBB1_5:
0xc: {  	s18 =	sadd.s32 $0x80, s10  }
0xd: {  	s14 =	simm.s32 $0x1;
	p2 =	sgt.s32 s18, $0x1FF  }
0xe: {  	s14 =	simm.s32 @!p2 $0x0  }
0xf: {  	s19 =	sadd.s32 s14, s11  }
0x10: {  	s20 =	smov.u32 s12;
	s14 =	sadd.s32 $0x8, s12;
	p3 =	sgt.s32 s19, $0x3  }
0x11: {  	s20 =	smov.u32 @p3 s14  }
0x12: {  	s21 =	smov.u32 s13;
	s14 =	sadd.s32 $0x4, s13;
	p4 =	sgt.s32 s20, $0x1F  }
0x13: {  	p1 =	slt.u32 s9, $0x2;
	s21 =	smov.u32 @p4 s14  }
0x14: {  	s9 =	sadd.s32 $0x1, s9;
	s18 =	simm.s32 @p2 $0x0;
	p2 =	sgt.s32 s21, $0x3  }
0x15: {  	s22 =	simm.s32 @!p1 $0x2;
	s21 =	smov.u32 @p2 s5;
	p2 =	sne.s32 s9, $0x42  }
.Ltmp1:
0x16: {  	s15 =	smov.u32 s11;
	_ =	swait.ge @!p1 [sflag:s22], $0x4000;
	(pc) =	sbr.rel @!p2 .LBB1_6-.Ltmp1, $4  }
0x17: {  	s16 =	smov.u32 s12;
	s17 =	smov.u32 s13;
	[sflag:s22] =	ssyncset.done @!p1 $0x0  }
0x18: {  	p0 =	por !p0, !p0;
	[sflag:s22] =	ssyncadd.s32 @!p1 $0xFFFFC000;
	s19 =	simm.s32 @p3 $0x0  }
0x19: {  	s11 =	smov.u32 s19;
	s20 =	smov.u32 @p4 s6;
	s14 =	smov.u32 s10  }
0x1a: {  	s10 =	smov.u32 s18;
	s12 =	smov.u32 s20;
	s13 =	smov.u32 s21  }
.LBB1_1:
0x1b: {  	p1 =	sgt.u32 s9, $0x3F  }
0x1c: {  	s18 =	sshll.u32 @!p1 s13, $0x14  }
0x1d: {  	s19 =	sxor.u32 @!p1 $0xFFFFFFFF, s9;
	s20 =	sshll.u32 @!p1 s12, $0xF;
	s18 =	sadd.s32 @!p1 s2, s18  }
0x1e: {  	s21 =	sshll.u32 @!p1 s11, $0xD;
	s22 =	sshll.u32 @!p1 s10, $0x4;
	s18 =	sadd.s32 @!p1 s20, s18  }
0x1f: {  	s19 =	sshll.u32 @!p1 s19, $0xE;
	s20 =	sand.u32 @!p1 $0x1FF0, s22;
	s18 =	sadd.s32 @!p1 s21, s18  }
0x20: {  	s19 =	sand.u32 @!p1 $0x4000, s19;
	s18 =	sadd.s32 @!p1 s20, s18;
	s20 =	simm.s32 @!p1 $0x0  }
0x21: {  	[tilespmem:s19], [sflag:$0x1] =	stream.linear.gather @!p1 [hbm4b:s18+s20], $0x4000, $0x38;
	[tilespmem:$0x10000] =	vst v63  }
0x22: {  	p1 =	seq.s32 s9, $0x0  }
0x23: {  	p2 =	seq.s32 @!p1 s9, $0x41  }
0x24: {  	p1 =	por p1, p2  }
.Ltmp2:
0x25: {  	_ = 	snop;
	(pc) =	sbr.rel @p1 .LBB1_5-.Ltmp2, $1  }
0x26: {  	_ =	sdelay $0x3  }
0x27: {  	s18 =	simm.s32 $0x1  }
0x28: {  	s18 =	simm.s32 @!p0 $0x0  }
0x29: {  	s18 =	sshll.u32 s18, $0xE  }
0x2a: {  	s19 =	sor.u32 $0x40, s18  }
0x2b: {  	v1 =	vmov s19;
	_ =	sdelay $0x1  }
0x2c: {  	_ =	swait.ge [sflag:s4], $0x4000  }
0x2d: {  	[sflag:s4] =	ssyncset.done $0x0  }
0x2e: {  	s20 =	simm.s32 $0x0;
	[sflag:s4] =	ssyncadd.s32 $0xFFFFC000  }
0x2f: {  	s18 =	sor.u32 $0x8070, s18;
	v7 =	vld.idx.msk [tilespmem:v1+s20+$0x30 ss:$0x1], $0xffff  }
0x30: {  	v0 =	vmov s18;
	v8 =	vld.idx.msk [tilespmem:v1+s20+$0xFFFFFFC0 ss:$0x1], $0xffff  }
0x31: {  	v6 =	vld.idx.msk [tilespmem:v1+s20+$0xFFFFFFD0 ss:$0x1], $0xffff  }
0x32: {  	v4 =	vld.idx.msk [tilespmem:v1+s20+$0xFFFFFFE0 ss:$0x1], $0xffff  }
0x33: {  	v2 =	vld.idx.msk [tilespmem:v1+s20+$0xFFFFFFF0 ss:$0x1], $0xffff  }
0x34: {  	s31 =	sshll.u32 s9, $0xE;
	v3 =	vld.idx.msk [tilespmem:v1+s20+$0x0 ss:$0x1], $0xffff  }
0x35: {  	s18 =	sand.u32 $0x4000, s31;
	v5 =	vld.idx.msk [tilespmem:v1+s20+$0x10 ss:$0x1], $0xffff;
	[tilespmem:v0+s20+$0x0 ss:$0x1] =	vst.idx.msk $0xffff, v7  }
0x36: {  	s21 =	simm.s32 $0x400;
	s19 =	simm.s32 $0x80;
	s18 =	sor.u32 $0x8000, s18;
	[tilespmem:v0+s20+$0xFFFFFF90 ss:$0x1] =	vst.idx.msk $0xffff, v8;
	v7 =	vld.idx.msk [tilespmem:v1+s20+$0x20 ss:$0x1], $0xffff  }
.LBB1_3:
0x37: {  	p1 =	sne.s32 s21, $0xFE00;
	v8 =	vld.idx.msk [tilespmem:v1+s19+$0x30 ss:$0x1], $0xffff;
	[tilespmem:v0+s20+$0xFFFFFFA0 ss:$0x1] =	vst.idx.msk $0xffff, v6  }
0x38: {  	v9 =	vld.idx.msk [tilespmem:v1+s19+$0xFFFFFFC0 ss:$0x1], $0xffff;
	[tilespmem:v0+s20+$0xFFFFFFB0 ss:$0x1] =	vst.idx.msk $0xffff, v4  }
0x39: {  	v6 =	vld.idx.msk [tilespmem:v1+s19+$0xFFFFFFD0 ss:$0x1], $0xffff;
	[tilespmem:v0+s20+$0xFFFFFFC0 ss:$0x1] =	vst.idx.msk $0xffff, v2  }
.Ltmp3:
0x3a: {  	v4 =	vld.idx.msk [tilespmem:v1+s19+$0xFFFFFFE0 ss:$0x1], $0xffff;
	[tilespmem:v0+s20+$0xFFFFFFD0 ss:$0x1] =	vst.idx.msk $0xffff, v3;
	(pc) =	sbr.rel @p1 .LBB1_3-.Ltmp3, $4  }
0x3b: {  	v2 =	vld.idx.msk [tilespmem:v1+s19+$0xFFFFFFF0 ss:$0x1], $0xffff;
	[tilespmem:v0+s20+$0xFFFFFFE0 ss:$0x1] =	vst.idx.msk $0xffff, v5  }
0x3c: {  	v3 =	vld.idx.msk [tilespmem:v1+s19+$0x0 ss:$0x1], $0xffff;
	[tilespmem:v0+s20+$0xFFFFFFF0 ss:$0x1] =	vst.idx.msk $0xffff, v7;
	s20 =	smov.u32 s19  }
0x3d: {  	v5 =	vld.idx.msk [tilespmem:v1+s20+$0x10 ss:$0x1], $0xffff;
	[tilespmem:v0+s20+$0x0 ss:$0x1] =	vst.idx.msk $0xffff, v8  }
0x3e: {  	s19 =	sshra.s32 s21, $0x2;
	s21 =	sadd.s32 $0x200, s21;
	[tilespmem:v0+s20+$0xFFFFFF90 ss:$0x1] =	vst.idx.msk $0xffff, v9;
	v7 =	vld.idx.msk [tilespmem:v1+s20+$0x20 ss:$0x1], $0xffff  }
0x3f: {  	_ =	sdelay $0x3  }
0x40: {  	[tilespmem:v0+s20+$0xFFFFFFA0 ss:$0x1] =	vst.idx.msk $0xffff, v6  }
0x41: {  	v56 =	vld.idx.msk [tilespmem:v1+s19+$0x30 ss:$0x1], $0xffff;
	[tilespmem:v0+s20+$0xFFFFFFB0 ss:$0x1] =	vst.idx.msk $0xffff, v4  }
0x42: {  	v57 =	vld.idx.msk [tilespmem:v1+s19+$0xFFFFFFC0 ss:$0x1], $0xffff;
	[tilespmem:v0+s20+$0xFFFFFFC0 ss:$0x1] =	vst.idx.msk $0xffff, v2  }
0x43: {  	v58 =	vld.idx.msk [tilespmem:v1+s19+$0xFFFFFFD0 ss:$0x1], $0xffff;
	[tilespmem:v0+s20+$0xFFFFFFD0 ss:$0x1] =	vst.idx.msk $0xffff, v3  }
0x44: {  	v59 =	vld.idx.msk [tilespmem:v1+s19+$0xFFFFFFE0 ss:$0x1], $0xffff;
	[tilespmem:v0+s20+$0xFFFFFFE0 ss:$0x1] =	vst.idx.msk $0xffff, v5  }
0x45: {  	v60 =	vld.idx.msk [tilespmem:v1+s19+$0xFFFFFFF0 ss:$0x1], $0xffff;
	[tilespmem:v0+s20+$0xFFFFFFF0 ss:$0x1] =	vst.idx.msk $0xffff, v7  }
0x46: {  	v61 =	vld.idx.msk [tilespmem:v1+s19+$0x0 ss:$0x1], $0xffff;
	[tilespmem:v0+s19+$0x0 ss:$0x1] =	vst.idx.msk $0xffff, v56  }
0x47: {  	v62 =	vld.idx.msk [tilespmem:v1+s19+$0x10 ss:$0x1], $0xffff;
	[tilespmem:v0+s19+$0xFFFFFF90 ss:$0x1] =	vst.idx.msk $0xffff, v57  }
0x48: {  	v63 =	vld.idx.msk [tilespmem:v1+s19+$0x20 ss:$0x1], $0xffff;
	[tilespmem:v0+s19+$0xFFFFFFA0 ss:$0x1] =	vst.idx.msk $0xffff, v58  }
0x49: {  	s17 =	sshll.u32 s17, $0x12;
	s15 =	sshll.u32 s15, $0x14;
	[tilespmem:v0+s19+$0xFFFFFFB0 ss:$0x1] =	vst.idx.msk $0xffff, v59  }
.Ltmp4:
0x4a: {  	s16 =	sshll.u32 s16, $0x4;
	s17 =	sadd.s32 s3, s17;
	[tilespmem:v0+s19+$0xFFFFFFC0 ss:$0x1] =	vst.idx.msk $0xffff, v60;
	(pc) =	sbr.rel .LBB1_5-.Ltmp4, $4  }
0x4b: {  	s16 =	sand.u32 $0x1F0, s16;
	s15 =	sadd.s32 s15, s17;
	[tilespmem:v0+s19+$0xFFFFFFD0 ss:$0x1] =	vst.idx.msk $0xffff, v61  }
0x4c: {  	s14 =	sshll.u32 s14, $0x9;
	s15 =	sadd.s32 s16, s15;
	[tilespmem:v0+s19+$0xFFFFFFE0 ss:$0x1] =	vst.idx.msk $0xffff, v62  }
0x4d: {  	s14 =	sadd.s32 s14, s15;
	[tilespmem:v0+s19+$0xFFFFFFF0 ss:$0x1] =	vst.idx.msk $0xffff, v63  }
0x4e: {  	[hbm4b:s14+s7] =	stream.strided.scatter [tilespmem:s18], [sflag:$0x2], $0x4000, s8, s7, $0x38;
	[tilespmem:$0x10000] =	vst v63  }
.LBB1_6:
0x4f: {  	_ =	sfence.sel $0x180000  }
0x50: {  	s2 =	simm.s32 $0x1;
	[bflag:$0x0] =	sbarrier.arrive $0xFFFF  }
0x51: {  	s31 =	simm.s32 $0x2;
	[sflag:s2] =	ssyncpa.u1 $0x1  }
0x52: {  	[sflag:s31] =	ssyncpa.u1 $0x1  }
0x53: {  	p0 =	sne.s32 s1, $0x0;
	_ =	strace $0x9000004A  }
0x54: {  	s0 =	sadd.s32 @!p0 $0x100000, s0;
	[bflag:$0x2] =	sbarrier.arrive $0xFFFF  }
0x55: {  	[sflag:s0] =	ssyncadd.tile.s32 @!p0 $0x1;
	_ =	shalt  }
.Lfunc_end1:
_tile_overlayer_lowered:
.L_overlay_start_2:
0x56: {  	(tag) =	ssettag $0x2  }
0x57: {  	s0 =	rddreg [dreg:$0x0];
	s2 =	stileid.u32  }
0x58: {  	s1 =	rddreg [dreg:$0x1];
	p0 =	sne.s32 s2, $0x0  }
0x59: {  	s3 =	rddreg [dreg:$0x2];
	[bflag:$0x3] =	sbarrier.arrive $0xFFFF;
	s2 =	simm.s32 @!p0 $0x1C01  }
0x5a: {  	[timem:s3], [sflag:s2] =	dma.local @!p0 [hbm:s0], s1  }
0x5b: {  	s0 =	simm.s32 @!p0 $0x1  }
0x5c: {  	_ =	swait.ge @!p0 [sflag:s0], s1  }
0x5d: {  	s1 =	ssub.s32 @!p0 $0x0, s1;
	[sflag:s0] =	ssyncset.done @!p0 $0x0  }
0x5e: {  	[sflag:s0] =	ssyncadd.s32 @!p0 s1  }
0x5f: {  	[bflag:$0x3] =	sbarrier.arrive $0xFFFF  }
0x60: {  	_ =	shalt  }

// kernel: sparse-core-data-format-call.cloned.1.call-start
scs
called_computation_lowered:
.L_overlay_start_0:
0x0: {  	s1 =	sld [smem:$0x3FD9]  }
0x1: {  	s2 =	sld [smem:$0x3FFE];
	_ =	sdelay $0x1  }
0x2: {  	s3 =	srdreg.scid  }
0x3: {  	s0 =	sand.u32 $0x1, s3  }
0x4: {  	s17 =	sshll.u32 s0, $0xA;
	s1 =	sadd.s32 s2, s1  }
0x5: {  	s1 =	sadd.s32 s1, s17  }
0x6: {  	[smem:$0x3FA2] =	sst s1  }
0x7: {  	_ = 	snop  }
0x8: {  	(tm) =	ssettm $0x1  }
0x9: {  	s18 =	sld [smem:$0x3FFB];
	_ =	sdelay $0x3  }
0xa: {  	_ =	strace s18  }
0xb: {  	s1 =	sld [smem:$0x3FFC];
	_ =	sdelay $0x3  }
0xc: {  	_ =	strace s1  }
0xd: {  	s1 =	sld [smem:$0x3FFD];
	_ =	sdelay $0x3  }
0xe: {  	_ =	strace s1  }
0xf: {  	_ =	strace $0x8FFFFFFF  }
0x10: {  	s19 =	sld [smem:$0x3FDB];
	_ =	sdelay $0x1  }
0x11: {  	s20 =	simm.s32 $_scs_section_size  }
0x12: {  	s4 =	simm.s32 $_size__tile_overlayer_lowered;
	s5 =	simm.s32 $_tile_overlayer_lowered  }
0x13: {  	s23 =	simm.s32 $0x1BFF;
	s22 =	sshll.u32 s5, $0x1;
	s1 =	sadd.s32 s20, s19  }
0x14: {  	s6 =	simm.s32 $0x0;
	s21 =	sshll.u32 s4, $0x1;
	s4 =	sadd.s32 s22, s1  }
0x15: {  	[timem:s6], [sflag:s23] =	dma.local [hbm:s4], s21  }
0x16: {  	_ =	swait.ge [sflag:s23], s21  }
0x17: {  	s2 =	ssub.s32 $0x0, s21;
	[sflag:s23] =	ssyncset.done $0x0  }
0x18: {  	[sflag:s23] =	ssyncadd.s32 s2;
	_ =	sdelay $0x1  }
0x19: {  	s24 =	simm.s32 $0x1B8B  }
0x1a: {  	_ =	swait.ge [sflag:s24], $0x1  }
0x1b: {  	[sflag:s24] =	ssyncset.done $0x0  }
0x1c: {  	s26 =	simm.s32 $0x1B8E;
	s25 =	sld [smem:$0x3FFE];
	[sflag:s24] =	ssyncadd.s32 $0xFFFFFFFF  }
0x1d: {  	s27 =	simm.s32 $execute0_lowered;
	[smem:$0x3FD2] =	sst s26  }
0x1e: {  	s4 =	sshll.u32 s27, $0x1;
	_ =	strace $0x80000052;
	[dreg:$0x1] =	wrdreg $0xFFFFFFFF  }
0x1f: {  	s28 =	simm.s32 $_size_execute0_lowered;
	s1 =	sadd.s32 s1, s4;
	[dreg:$0x0] =	wrdreg $0x0  }
0x20: {  	s4 =	sshll.u32 s28, $0x1;
	[dreg:$0x2] =	wrdreg s1  }
0x21: {  	[dreg:$0x3] =	wrdreg s4  }
0x22: {  	[dreg:$0x4] =	wrdreg $0xC0  }
0x23: {  	_ =	task [dreg:s6], $0x5FFFF  }
0x24: {  	[dreg:$0x1] =	wrdreg $0xFFFFFFFF  }
0x25: {  	[dreg:$0x0] =	wrdreg $0x60  }
0x26: {  	[dreg:$0x2] =	wrdreg s25  }
0x27: {  	[dreg:$0x3] =	wrdreg $0x9  }
0x28: {  	_ =	task.clear_ibuf [dreg:s6], $0x4FFFF;
	_ =	strace $0x90000052  }
0x29: {  	s29 =	simm.s32 $0x9;
	_ =	strace $0x80000054  }
0x2a: {  	_ =	swait.ge [sflag:s29], $0x1  }
0x2b: {  	[sflag:s29] =	ssyncadd.s32 $0xFFFFFFFF  }
0x2c: {  	_ =	strace $0x90000054  }
0x2d: {  	_ =	sfence  }
0x2e: {  	s30 =	sld [smem:$0x0];
	_ =	sdelay $0x2  }
0x2f: {  	s31 =	sshll.u32 s3, $0xD;
	s3 =	sshrl.u32 s3, $0x2  }
0x30: {  	s2 =	sand.u32 $0x4000, s31;
	s1 =	sadd.s32 s3, s30  }
0x31: {  	s0 =	sor.u32 s2, s0;
	s1 =	sshll.u32 s1, $0x11  }
0x32: {  	s0 =	sor.u32 s1, s0  }
0x33: {  	s0 =	sadd.s32 $0x8F2B, s0  }
0x34: {  	[sflag:s0] =	ssyncadd.remote.s32 $0x1  }
0x35: {  	_ =	sfence.sel $0xFFFF  }
0x36: {  	[dreg:$0x0] =	wrdreg $0xFFFFFFFF;
	(pc) =	sbr.abs _section_cstart, $3  }
0x37: {  	[dreg:$0x1] =	wrdreg $0xFFFFFFFF  }
0x38: {  	_ =	task.clear_ibuf [dreg:s6], $0x2FFFF;
	_ =	strace $0x9FFFFFFF  }
0x39: {  	(tm) =	ssettm $0x7FFFFFFF  }
tec
execute0_lowered:
.L_overlay_start_1:
0x0: {  	(tag) =	ssettag $0x1  }
0x1: {  	s1 =	rddreg [dreg:$0x0]  }
0x2: {  	s0 =	rddreg [dreg:$0x1];
	s3 =	srdreg.scid  }
0x3: {  	_ =	strace $0x80000053;
	s5 =	simm.s32 $0x1;
	s7 =	simm.s32 $0x2  }
0x4: {  	s14 =	simm.s32 $0x0;
	p0 =	por $0x0, $0x0;
	s15 =	simm.s32 $0x0  }
0x5: {  	s16 =	simm.s32 $0x0;
	s18 =	simm.s32 $0x0;
	s17 =	simm.s32 $0x0  }
0x6: {  	s9 =	simm.s32 $0x0;
	s10 =	simm.s32 $0x0;
	s11 =	simm.s32 $0x0  }
.Ltmp0:
0x7: {  	s2 =	sadd.s32 $0x10A400, s1;
	s4 =	sshll.u32 s3, $0x4;
	(pc) =	sbr.rel .LBB1_1-.Ltmp0, $4  }
0x8: {  	s3 =	sadd.s32 $0x50A400, s1;
	s1 =	stileid.u32;
	s4 =	sand.u32 $0x10, s4  }
0x9: {  	s8 =	simm.s32 $0x0;
	[sflag:s5] =	ssyncpa.u1 $0x0;
	s6 =	sor.u32 s1, s4  }
0xa: {  	[sflag:s7] =	ssyncpa.u1 $0x0;
	s4 =	sand.u32 $0x3, s1;
	s6 =	sshrl.u32 s6, $0x2  }
0xb: {  	s7 =	simm.s32 $0x4000;
	s13 =	smov.u32 s4;
	s12 =	smov.u32 s6  }
.LBB1_5:
0xc: {  	s19 =	sadd.s32 $0x80, s9  }
0xd: {  	s14 =	sadd.s32 $0x80, s10;
	s20 =	smov.u32 s10;
	p2 =	sgt.s32 s19, $0xFF  }
0xe: {  	s20 =	smov.u32 @p2 s14  }
0xf: {  	s14 =	simm.s32 $0x1;
	p3 =	sgt.s32 s20, $0x7F  }
0x10: {  	s14 =	simm.s32 @!p3 $0x0  }
0x11: {  	s21 =	sadd.s32 s14, s11  }
0x12: {  	s22 =	smov.u32 s12;
	s14 =	sadd.s32 $0x8, s12;
	p4 =	sgt.s32 s21, $0x3  }
0x13: {  	p1 =	slt.u32 s8, $0x2;
	s23 =	smov.u32 s13;
	s22 =	smov.u32 @p4 s14  }
0x14: {  	s8 =	sadd.s32 $0x1, s8;
	s14 =	sadd.s32 $0x4, s13;
	p5 =	sgt.s32 s22, $0x3F  }
0x15: {  	s15 =	smov.u32 s10;
	s16 =	smov.u32 s11;
	s23 =	smov.u32 @p5 s14  }
0x16: {  	s18 =	smov.u32 s12;
	s19 =	simm.s32 @p2 $0x0;
	p2 =	sgt.s32 s23, $0x3  }
0x17: {  	s24 =	simm.s32 @!p1 $0x2;
	s23 =	smov.u32 @p2 s4;
	p2 =	sne.s32 s8, $0x42  }
.Ltmp1:
0x18: {  	s17 =	smov.u32 s13;
	_ =	swait.ge @!p1 [sflag:s24], $0x4000;
	(pc) =	sbr.rel @!p2 .LBB1_6-.Ltmp1, $4  }
0x19: {  	p0 =	por !p0, !p0;
	[sflag:s24] =	ssyncset.done @!p1 $0x0;
	s20 =	simm.s32 @p3 $0x0  }
0x1a: {  	[sflag:s24] =	ssyncadd.s32 @!p1 $0xFFFFC000;
	s10 =	smov.u32 s20;
	s21 =	simm.s32 @p4 $0x0  }
0x1b: {  	s11 =	smov.u32 s21;
	s22 =	smov.u32 @p5 s6;
	s14 =	smov.u32 s9  }
0x1c: {  	s9 =	smov.u32 s19;
	s12 =	smov.u32 s22;
	s13 =	smov.u32 s23  }
.LBB1_1:
0x1d: {  	p1 =	sgt.u32 s8, $0x3F  }
0x1e: {  	s19 =	sxor.u32 @!p1 $0xFFFFFFFF, s8;
	s20 =	sshll.u32 @!p1 s10, $0x8  }
0x1f: {  	s21 =	sshll.u32 @!p1 s9, $0x3;
	s22 =	sshll.u32 @!p1 s10, $0x7;
	s23 =	sand.u32 @!p1 $0x78, s9  }
0x20: {  	s24 =	sshll.u32 @!p1 s11, $0xC;
	s20 =	sand.u32 @!p1 $0x7800, s20;
	s21 =	sand.u32 @!p1 $0x7C00, s21  }
0x21: {  	s19 =	sshll.u32 @!p1 s19, $0xE;
	s20 =	sadd.s32 @!p1 s20, s21;
	s21 =	sand.u32 @!p1 $0x300, s22  }
0x22: {  	s20 =	sor.u32 @!p1 s21, s20;
	s21 =	sand.u32 @!p1 $0x80, s22;
	s22 =	sshll.u32 @!p1 s13, $0x14  }
0x23: {  	s21 =	sor.u32 @!p1 s23, s21;
	s23 =	sshll.u32 @!p1 s12, $0xE;
	s22 =	sadd.s32 @!p1 s2, s22  }
0x24: {  	s19 =	sand.u32 @!p1 $0x4000, s19;
	s20 =	sshrl.u32 @!p1 s20, $0x3;
	s22 =	sadd.s32 @!p1 s23, s22  }
0x25: {  	s21 =	sshrl.u32 @!p1 s21, $0x3;
	s23 =	sand.u32 @!p1 $0x7, s9;
	s22 =	sadd.s32 @!p1 s24, s22  }
0x26: {  	s20 =	sand.u32 @!p1 $0xFE0, s20;
	s21 =	sadd.s32 @!p1 s21, s22;
	s22 =	sshll.u32 @!p1 s23, $0x12  }
0x27: {  	s20 =	sadd.s32 @!p1 s20, s21;
	s21 =	sor.u32 @!p1 $0x400, s22;
	s22 =	simm.s32 @!p1 $0x800  }
0x28: {  	[tilespmem:s19], [sflag:$0x1] =	stream.strided.gather @!p1 [hbm4b:s20+s21], $0x4000, s22, s21, $0x38;
	[tilespmem:$0x10000] =	vst v63  }
0x29: {  	p1 =	seq.s32 s8, $0x0  }
0x2a: {  	p2 =	seq.s32 @!p1 s8, $0x41  }
0x2b: {  	p1 =	por p1, p2  }
.Ltmp2:
0x2c: {  	_ = 	snop;
	(pc) =	sbr.rel @p1 .LBB1_5-.Ltmp2, $1  }
0x2d: {  	_ =	sdelay $0x3  }
0x2e: {  	s19 =	simm.s32 $0x1  }
0x2f: {  	s19 =	simm.s32 @!p0 $0x0  }
0x30: {  	s19 =	sshll.u32 s19, $0xE  }
0x31: {  	s20 =	sor.u32 $0x40, s19  }
0x32: {  	v1 =	vmov s20;
	_ =	sdelay $0x1  }
0x33: {  	_ =	swait.ge [sflag:s5], $0x4000  }
0x34: {  	[sflag:s5] =	ssyncset.done $0x0  }
0x35: {  	s21 =	simm.s32 $0x0;
	[sflag:s5] =	ssyncadd.s32 $0xFFFFC000  }
0x36: {  	s19 =	sor.u32 $0x8070, s19;
	v7 =	vld.idx.msk [tilespmem:v1+s21+$0x30 ss:$0x1], $0xffff  }
0x37: {  	v0 =	vmov s19;
	v8 =	vld.idx.msk [tilespmem:v1+s21+$0xFFFFFFC0 ss:$0x1], $0xffff  }
0x38: {  	v6 =	vld.idx.msk [tilespmem:v1+s21+$0xFFFFFFD0 ss:$0x1], $0xffff  }
0x39: {  	v4 =	vld.idx.msk [tilespmem:v1+s21+$0xFFFFFFE0 ss:$0x1], $0xffff  }
0x3a: {  	v2 =	vld.idx.msk [tilespmem:v1+s21+$0xFFFFFFF0 ss:$0x1], $0xffff  }
0x3b: {  	s31 =	sshll.u32 s8, $0xE;
	v3 =	vld.idx.msk [tilespmem:v1+s21+$0x0 ss:$0x1], $0xffff  }
0x3c: {  	s19 =	sand.u32 $0x4000, s31;
	v5 =	vld.idx.msk [tilespmem:v1+s21+$0x10 ss:$0x1], $0xffff;
	[tilespmem:v0+s21+$0x0 ss:$0x1] =	vst.idx.msk $0xffff, v7  }
0x3d: {  	s22 =	simm.s32 $0x400;
	s20 =	simm.s32 $0x80;
	s19 =	sor.u32 $0x8000, s19;
	[tilespmem:v0+s21+$0xFFFFFF90 ss:$0x1] =	vst.idx.msk $0xffff, v8;
	v7 =	vld.idx.msk [tilespmem:v1+s21+$0x20 ss:$0x1], $0xffff  }
.LBB1_3:
0x3e: {  	p1 =	sne.s32 s22, $0xFE00;
	v8 =	vld.idx.msk [tilespmem:v1+s20+$0x30 ss:$0x1], $0xffff;
	[tilespmem:v0+s21+$0xFFFFFFA0 ss:$0x1] =	vst.idx.msk $0xffff, v6  }
0x3f: {  	v9 =	vld.idx.msk [tilespmem:v1+s20+$0xFFFFFFC0 ss:$0x1], $0xffff;
	[tilespmem:v0+s21+$0xFFFFFFB0 ss:$0x1] =	vst.idx.msk $0xffff, v4  }
0x40: {  	v6 =	vld.idx.msk [tilespmem:v1+s20+$0xFFFFFFD0 ss:$0x1], $0xffff;
	[tilespmem:v0+s21+$0xFFFFFFC0 ss:$0x1] =	vst.idx.msk $0xffff, v2  }
.Ltmp3:
0x41: {  	v4 =	vld.idx.msk [tilespmem:v1+s20+$0xFFFFFFE0 ss:$0x1], $0xffff;
	[tilespmem:v0+s21+$0xFFFFFFD0 ss:$0x1] =	vst.idx.msk $0xffff, v3;
	(pc) =	sbr.rel @p1 .LBB1_3-.Ltmp3, $4  }
0x42: {  	v2 =	vld.idx.msk [tilespmem:v1+s20+$0xFFFFFFF0 ss:$0x1], $0xffff;
	[tilespmem:v0+s21+$0xFFFFFFE0 ss:$0x1] =	vst.idx.msk $0xffff, v5  }
0x43: {  	v3 =	vld.idx.msk [tilespmem:v1+s20+$0x0 ss:$0x1], $0xffff;
	[tilespmem:v0+s21+$0xFFFFFFF0 ss:$0x1] =	vst.idx.msk $0xffff, v7;
	s21 =	smov.u32 s20  }
0x44: {  	v5 =	vld.idx.msk [tilespmem:v1+s21+$0x10 ss:$0x1], $0xffff;
	[tilespmem:v0+s21+$0x0 ss:$0x1] =	vst.idx.msk $0xffff, v8  }
0x45: {  	s20 =	sshra.s32 s22, $0x2;
	s22 =	sadd.s32 $0x200, s22;
	[tilespmem:v0+s21+$0xFFFFFF90 ss:$0x1] =	vst.idx.msk $0xffff, v9;
	v7 =	vld.idx.msk [tilespmem:v1+s21+$0x20 ss:$0x1], $0xffff  }
0x46: {  	_ =	sdelay $0x3  }
0x47: {  	[tilespmem:v0+s21+$0xFFFFFFA0 ss:$0x1] =	vst.idx.msk $0xffff, v6  }
0x48: {  	v56 =	vld.idx.msk [tilespmem:v1+s20+$0x30 ss:$0x1], $0xffff;
	[tilespmem:v0+s21+$0xFFFFFFB0 ss:$0x1] =	vst.idx.msk $0xffff, v4  }
0x49: {  	v57 =	vld.idx.msk [tilespmem:v1+s20+$0xFFFFFFC0 ss:$0x1], $0xffff;
	[tilespmem:v0+s21+$0xFFFFFFC0 ss:$0x1] =	vst.idx.msk $0xffff, v2  }
0x4a: {  	v58 =	vld.idx.msk [tilespmem:v1+s20+$0xFFFFFFD0 ss:$0x1], $0xffff;
	[tilespmem:v0+s21+$0xFFFFFFD0 ss:$0x1] =	vst.idx.msk $0xffff, v3  }
0x4b: {  	v59 =	vld.idx.msk [tilespmem:v1+s20+$0xFFFFFFE0 ss:$0x1], $0xffff;
	[tilespmem:v0+s21+$0xFFFFFFE0 ss:$0x1] =	vst.idx.msk $0xffff, v5  }
0x4c: {  	s22 =	sshll.u32 s18, $0x8;
	s23 =	sshll.u32 s14, $0x3;
	v60 =	vld.idx.msk [tilespmem:v1+s20+$0xFFFFFFF0 ss:$0x1], $0xffff;
	s26 =	sshll.u32 s18, $0x7;
	[tilespmem:v0+s21+$0xFFFFFFF0 ss:$0x1] =	vst.idx.msk $0xffff, v7  }
0x4d: {  	v61 =	vld.idx.msk [tilespmem:v1+s20+$0x0 ss:$0x1], $0xffff;
	s28 =	sand.u32 $0x78, s14;
	s17 =	sshll.u32 s17, $0x12;
	s16 =	sshll.u32 s16, $0x14;
	[tilespmem:v0+s20+$0x0 ss:$0x1] =	vst.idx.msk $0xffff, v56  }
0x4e: {  	v62 =	vld.idx.msk [tilespmem:v1+s20+$0x10 ss:$0x1], $0xffff;
	s15 =	sshll.u32 s15, $0xB;
	s30 =	sand.u32 $0x7, s14;
	s24 =	sand.u32 $0x3800, s22;
	[tilespmem:v0+s20+$0xFFFFFF90 ss:$0x1] =	vst.idx.msk $0xffff, v57  }
0x4f: {  	v63 =	vld.idx.msk [tilespmem:v1+s20+$0x20 ss:$0x1], $0xffff;
	s25 =	sand.u32 $0x3C00, s23;
	s27 =	sand.u32 $0x300, s26;
	s18 =	sand.u32 $0x80, s26;
	[tilespmem:v0+s20+$0xFFFFFFA0 ss:$0x1] =	vst.idx.msk $0xffff, v58  }
0x50: {  	s17 =	sadd.s32 s3, s17;
	s18 =	sor.u32 s18, s28;
	s21 =	sadd.s32 s24, s25;
	[tilespmem:v0+s20+$0xFFFFFFB0 ss:$0x1] =	vst.idx.msk $0xffff, v59  }
.Ltmp4:
0x51: {  	s16 =	sadd.s32 s16, s17;
	s21 =	sor.u32 s27, s21;
	[tilespmem:v0+s20+$0xFFFFFFC0 ss:$0x1] =	vst.idx.msk $0xffff, v60;
	(pc) =	sbr.rel .LBB1_5-.Ltmp4, $4  }
0x52: {  	s29 =	sshrl.u32 s18, $0x3;
	s15 =	sadd.s32 s15, s16;
	[tilespmem:v0+s20+$0xFFFFFFD0 ss:$0x1] =	vst.idx.msk $0xffff, v61;
	s21 =	sshrl.u32 s21, $0x3  }
0x53: {  	s14 =	sshll.u32 s30, $0x12;
	s15 =	sadd.s32 s29, s15;
	[tilespmem:v0+s20+$0xFFFFFFE0 ss:$0x1] =	vst.idx.msk $0xffff, v62;
	s31 =	sand.u32 $0x7E0, s21  }
0x54: {  	s14 =	sor.u32 $0x80, s14;
	[tilespmem:v0+s20+$0xFFFFFFF0 ss:$0x1] =	vst.idx.msk $0xffff, v63;
	s15 =	sadd.s32 s31, s15  }
0x55: {  	[hbm4b:s15+s14] =	stream.strided.scatter [tilespmem:s19], [sflag:$0x2], $0x4000, s7, s14, $0x38;
	[tilespmem:$0x10000] =	vst v63  }
.LBB1_6:
0x56: {  	_ =	sfence.sel $0x180000  }
0x57: {  	s2 =	simm.s32 $0x1;
	[bflag:$0x0] =	sbarrier.arrive $0xFFFF  }
0x58: {  	s31 =	simm.s32 $0x2;
	[sflag:s2] =	ssyncpa.u1 $0x1  }
0x59: {  	[sflag:s31] =	ssyncpa.u1 $0x1  }
0x5a: {  	p0 =	sne.s32 s1, $0x0;
	_ =	strace $0x90000053  }
0x5b: {  	s0 =	sadd.s32 @!p0 $0x100000, s0;
	[bflag:$0x2] =	sbarrier.arrive $0xFFFF  }
0x5c: {  	[sflag:s0] =	ssyncadd.tile.s32 @!p0 $0x1;
	_ =	shalt  }
.Lfunc_end1:
_tile_overlayer_lowered:
.L_overlay_start_2:
0x5d: {  	(tag) =	ssettag $0x2  }
0x5e: {  	s0 =	rddreg [dreg:$0x0];
	s2 =	stileid.u32  }
0x5f: {  	s1 =	rddreg [dreg:$0x1];
	p0 =	sne.s32 s2, $0x0  }
0x60: {  	s3 =	rddreg [dreg:$0x2];
	[bflag:$0x3] =	sbarrier.arrive $0xFFFF;
	s2 =	simm.s32 @!p0 $0x1C01  }
0x61: {  	[timem:s3], [sflag:s2] =	dma.local @!p0 [hbm:s0], s1  }
0x62: {  	s0 =	simm.s32 @!p0 $0x1  }
0x63: {  	_ =	swait.ge @!p0 [sflag:s0], s1  }
0x64: {  	s1 =	ssub.s32 @!p0 $0x0, s1;
	[sflag:s0] =	ssyncset.done @!p0 $0x0  }
0x65: {  	[sflag:s0] =	ssyncadd.s32 @!p0 s1  }
0x66: {  	[bflag:$0x3] =	sbarrier.arrive $0xFFFF  }
0x67: {  	_ =	shalt  }

</sc_bundles>
